<compile_context>
chip_gen: v7x
topology: tpu7x:2x2x1
jax: 0.10.2.dev20260603
libtpu: 0.0.44.dev20260713+nightly
codegen_flags: <defaults>
</compile_context>

<pallas_src>
import jax
import jax.numpy as jnp
from jax import lax
from jax.experimental import pallas as pl
from jax.experimental.pallas import tpu as pltpu
from jax.experimental.pallas import tpu_sc as plsc

_NUM_EMB = 8192
_NUM_HEADS = 4
_HEAD_DIM = 64
_COMMIT = 0.25

_TM = 576
_TPB = 1


def _vq_body(x_ref, wt_ref, sx_ref, sw_ref, codes_ref, flat_ref, loss_ref):
    t = pl.program_id(0)

    x = x_ref[...]
    idx_cols = []
    flat_cols = []
    dmin_total = jnp.float32(0.0)
    for h in range(_NUM_HEADS):
        xh = x[:, h * _HEAD_DIM:(h + 1) * _HEAD_DIM]
        w = wt_ref[h]
        mm = lax.dot_general(xh.astype(jnp.bfloat16), w.astype(jnp.bfloat16),
                             (((1,), (0,)), ((), ())),
                             preferred_element_type=jnp.float32)
        d = (sx_ref[:, h:h + 1] + sw_ref[h:h + 1, :]) - 2.0 * mm
        ci = lax.broadcasted_iota(jnp.int32, (_TM, _NUM_EMB // 2), 1)
        halves = []
        for p in range(2):
            dp = d[:, p * (_NUM_EMB // 2):(p + 1) * (_NUM_EMB // 2)]
            mp = jnp.min(dp, axis=1, keepdims=True)
            ip = jnp.min(jnp.where(dp == mp, ci, jnp.int32(2 ** 30)),
                         axis=1, keepdims=True) + jnp.int32(p * (_NUM_EMB // 2))
            halves.append((mp, ip))
        (m1, i1), (m2, i2) = halves
        m1b = m1.astype(jnp.bfloat16).astype(jnp.float32)
        take2 = m2 < m1b
        idx = jnp.where(take2, i2, i1)
        dmin = jnp.where(take2, m2, m1)
        idx_cols.append(idx)
        flat_cols.append(idx + jnp.int32(h * _NUM_EMB))
        dmin_total = dmin_total + jnp.sum(dmin)
    codes_ref[...] = jnp.concatenate(idx_cols, axis=1)
    flat_ref[...] = jnp.concatenate(flat_cols, axis=1)

    row = jnp.full((1, 1, 128), dmin_total, dtype=jnp.float32)

    @pl.when(t % _TPB == 0)
    def _first():
        loss_ref[...] = row

    @pl.when(t % _TPB != 0)
    def _acc():
        loss_ref[...] += row


def _vq_argmin(x2d, wt, sx, sw):
    n = x2d.shape[0]
    nt = n // _TM
    nb = nt // _TPB
    return pl.pallas_call(
        _vq_body,
        grid=(nt,),
        in_specs=[
            pl.BlockSpec((_TM, _NUM_HEADS * _HEAD_DIM), lambda t: (t, 0)),
            pl.BlockSpec((_NUM_HEADS, _HEAD_DIM, _NUM_EMB), lambda t: (0, 0, 0)),
            pl.BlockSpec((_TM, _NUM_HEADS), lambda t: (t, 0)),
            pl.BlockSpec((_NUM_HEADS, _NUM_EMB), lambda t: (0, 0)),
        ],
        out_specs=[
            pl.BlockSpec((_TM, _NUM_HEADS), lambda t: (t, 0)),
            pl.BlockSpec((_TM, _NUM_HEADS), lambda t: (t, 0)),
            pl.BlockSpec((1, 1, 128), lambda t: (t // _TPB, 0, 0)),
        ],
        out_shape=[
            jax.ShapeDtypeStruct((n, _NUM_HEADS), jnp.int32),
            jax.ShapeDtypeStruct((n, _NUM_HEADS), jnp.int32),
            jax.ShapeDtypeStruct((nb, 1, 128), jnp.float32),
        ],
        compiler_params=pltpu.CompilerParams(
            dimension_semantics=("arbitrary",)),
    )(x2d, wt, sx, sw)


_NW = 32
_B = 18432 * _NUM_HEADS
_BPW = _B // _NW
_CH = 384
_NCH = _BPW // _CH
_GW = 128


def _gather_body(table_ref, idx_ref, out_ref, idx_v, buf0, buf1, sem0, sem1):
    wid = lax.axis_index("s") * 2 + lax.axis_index("c")
    base = wid * _BPW
    pltpu.sync_copy(idx_ref.at[pl.ds(base, _BPW)], idx_v)
    bufs = (buf0, buf1)
    sems = (sem0, sem1)
    copies = []
    for ch in range(_NCH):
        copies.append(pltpu.async_copy(
            table_ref.at[idx_v.at[pl.ds(ch * _CH, _CH)]],
            bufs[ch % 2], sems[ch % 2]))
        if ch >= 1:
            copies[ch - 1].wait()
            pltpu.sync_copy(bufs[(ch - 1) % 2],
                            out_ref.at[pl.ds(base + (ch - 1) * _CH, _CH)])
    copies[-1].wait()
    pltpu.sync_copy(bufs[(_NCH - 1) % 2],
                    out_ref.at[pl.ds(base + (_NCH - 1) * _CH, _CH)])


def _sc_gather(table, flat_idx):
    mesh = plsc.VectorSubcoreMesh(core_axis_name="c", subcore_axis_name="s")
    f = pl.kernel(
        _gather_body,
        mesh=mesh,
        out_type=jax.ShapeDtypeStruct((_B, _GW), jnp.float32),
        scratch_types=[
            pltpu.VMEM((_BPW,), jnp.int32),
            pltpu.VMEM((_CH, _GW), jnp.float32),
            pltpu.VMEM((_CH, _GW), jnp.float32),
            pltpu.SemaphoreType.DMA,
            pltpu.SemaphoreType.DMA,
        ],
    )
    return f(table, flat_idx)


def kernel(inputs, emb_weights):
    shape = inputs.shape
    n = shape[0] * shape[1]
    x2d = inputs.reshape(n, shape[2])
    wt = emb_weights.transpose(0, 2, 1)
    flat_input = inputs.reshape(-1, _NUM_HEADS, _HEAD_DIM)
    sx = jnp.concatenate(
        [jnp.sum(flat_input[:, h, :] ** 2, axis=1, keepdims=True)
         for h in range(_NUM_HEADS)], axis=1)
    sw = jnp.stack(
        [jnp.sum(emb_weights[h] ** 2, axis=1)
         for h in range(_NUM_HEADS)])
    codes, flat_idx, loss3 = _vq_argmin(x2d, wt, sx, sw)
    loss = (_COMMIT / (shape[1] * shape[2])) * loss3[:, 0, 0]
    table = emb_weights.reshape(_NUM_HEADS * _NUM_EMB, _HEAD_DIM)
    table = jnp.pad(table, ((0, 0), (0, _GW - _HEAD_DIM)))
    q = _sc_gather(table, flat_idx.reshape(-1))
    return q[:, :_HEAD_DIM].reshape(shape), loss, codes

# --- scband reference (transcript-rebuilt; emitter-appended) ---
"""Pipeline reference for scband-vector-quantizer-multi-head-legacy-89180700934751 (READ-ONLY COPY).

The authoritative reference and input builder live on the scoring server;
editing this copy changes nothing except your own understanding.
"""

import jax, jax.numpy as jnp
import numpy as np

NUM_EMBEDDINGS = 8192
NUM_HEADS = 4
EMBED_DIM = 256
HEAD_DIM = EMBED_DIM // NUM_HEADS  # 64
COMMITMENT_COST = 0.25


def setup_inputs(seed: int = 0) -> dict:
    key = jax.random.key(seed)
    k1, k2 = jax.random.split(key)
    inputs = jax.random.normal(k1, (32, 576, 256), dtype=jnp.float32)
    # per-head codebooks, initialized with normal_() as in the torch module
    emb_weights = jax.random.normal(k2, (NUM_HEADS, NUM_EMBEDDINGS, HEAD_DIM), dtype=jnp.float32)
    return {"inputs": inputs, "emb_weights": emb_weights}


def reference(inputs, emb_weights):
    input_shape = inputs.shape
    flat_input = inputs.reshape(-1, NUM_HEADS, HEAD_DIM)
    quantized_list = []
    vq_codes = []
    for head_ix in range(NUM_HEADS):
        this_input = flat_input[:, head_ix, :]
        W = emb_weights[head_ix]
        distances = (jnp.sum(this_input ** 2, axis=1, keepdims=True)
                     + jnp.sum(W ** 2, axis=1)
                     - 2.0 * jnp.matmul(this_input, W.T))
        encoding_indices = jnp.argmin(distances, axis=1)
        encodings = jax.nn.one_hot(encoding_indices, NUM_EMBEDDINGS, dtype=jnp.float32)
        this_quantized = jnp.matmul(encodings, W)
        quantized_list.append(this_quantized)
        vq_codes.append(encoding_indices)
    quantized = jnp.concatenate(quantized_list, axis=1).reshape(input_shape)
    # ema=True so q_latent_loss = 0; commitment (e_latent) loss, per-sample [B]
    e_latent_loss = jnp.mean(jnp.mean((jax.lax.stop_gradient(quantized) - inputs) ** 2, axis=-1), axis=-1)
    loss = COMMITMENT_COST * e_latent_loss
    # straight-through estimator
    quantized_st = inputs + jax.lax.stop_gradient(quantized - inputs)
    return quantized_st, loss, jnp.stack(vq_codes, axis=1)

if __name__ == "__main__":
    import jax
    _d = setup_inputs()
    print(jax.jit(kernel)(*tuple(_d.values())))

</pallas_src>

<mosaic_0001>
#map = affine_map<(d0, d1) -> (0, 0)>
#map1 = affine_map<(d0, d1) -> (0)>
module attributes {stable_mosaic.version = 14 : i64} {
  func.func @_gather_body(%arg0: i32, %arg1: i32, %arg2: memref<32768x128xf32, #tpu.memory_space<hbm>>, %arg3: memref<73728xi32, #tpu.memory_space<hbm>>, %arg4: memref<73728x128xf32, #tpu.memory_space<hbm>>, %arg5: memref<2304xi32, #tpu.memory_space<vmem>>, %arg6: memref<384x128xf32, #tpu.memory_space<vmem>>, %arg7: memref<384x128xf32, #tpu.memory_space<vmem>>, %arg8: memref<!tpu.dma_semaphore, #tpu.memory_space<semaphore_mem>>, %arg9: memref<!tpu.dma_semaphore, #tpu.memory_space<semaphore_mem>>) attributes {dimension_semantics = [#tpu.dimension_semantics<core_parallel>, #tpu.dimension_semantics<subcore_parallel>], iteration_bounds = array<i64: 2, 16>, scalar_prefetch = 0 : i64, scratch_operands = 5 : i64, tpu.core_type = #tpu.core_type<sc_vector_subcore>, window_params = [{transform_indices = #map}, {transform_indices = #map1}, {transform_indices = #map}]} {
    %mul3A = arith.constant 2 : i32
    %mul3A_0 = arith.muli %arg1, %mul3A : i32
    %add3A = arith.addi %mul3A_0, %arg0 : i32
    %mul3A_1 = arith.constant 2304 : i32
    %mul3A_2 = arith.muli %add3A, %mul3A_1 : i32
    "tpu.region"() ({
      %run_scoped3A = tpu.sem_alloc : memref<!tpu.dma_semaphore, #tpu.memory_space<semaphore_mem>>
      %dma_start3A_73 = tpu.memref_slice %arg3[%mul3A_2] : memref<73728xi32, #tpu.memory_space<hbm>> -> memref<2304xi32, #tpu.memory_space<hbm>>
      %dma_start3A_74 = tpu.memref_slice %arg3[%mul3A_2] : memref<73728xi32, #tpu.memory_space<hbm>> -> memref<2304xi32, #tpu.memory_space<hbm>>
      tpu.enqueue_dma source(%dma_start3A_74 : memref<2304xi32, #tpu.memory_space<hbm>>) target(%arg5 : memref<2304xi32, #tpu.memory_space<vmem>>) target_semaphore(%run_scoped3A : memref<!tpu.dma_semaphore, #tpu.memory_space<semaphore_mem>>)
      %dma_wait3A_75 = tpu.memref_slice %arg3[%mul3A_2] : memref<73728xi32, #tpu.memory_space<hbm>> -> memref<2304xi32, #tpu.memory_space<hbm>>
      %dma_wait3A_76 = tpu.memref_slice %arg3[%mul3A_2] : memref<73728xi32, #tpu.memory_space<hbm>> -> memref<2304xi32, #tpu.memory_space<hbm>>
      tpu.wait_dma2 semaphore(%run_scoped3A : memref<!tpu.dma_semaphore, #tpu.memory_space<semaphore_mem>>) src(%dma_wait3A_76 : memref<2304xi32, #tpu.memory_space<hbm>>) dst(%arg5 : memref<2304xi32, #tpu.memory_space<vmem>>)
      tpu.yield
    }) : () -> ()
    %dma_start3A = arith.constant 0 : i32
    %dma_start3A_3 = tpu.memref_slice %arg5[%dma_start3A] : memref<2304xi32, #tpu.memory_space<vmem>> -> memref<384xi32, #tpu.memory_space<vmem>>
    %dma_start3A_4 = arith.constant 0 : i32
    %dma_start3A_5 = arith.constant 0 : i32
    %dma_start3A_6 = tpu.memref_slice %arg2[%dma_start3A_4, %dma_start3A_5] : memref<32768x128xf32, #tpu.memory_space<hbm>> -> memref<32768x128xf32, #tpu.memory_space<hbm>>
    tpu.enqueue_indirect_dma source(%dma_start3A_6 : memref<32768x128xf32, #tpu.memory_space<hbm>>) target(%arg6 : memref<384x128xf32, #tpu.memory_space<vmem>>) offsets(%dma_start3A_3 : memref<384xi32, #tpu.memory_space<vmem>>) semaphore(%arg8 : memref<!tpu.dma_semaphore, #tpu.memory_space<semaphore_mem>>)
    %dma_start3A_7 = arith.constant 384 : i32
    %dma_start3A_8 = tpu.memref_slice %arg5[%dma_start3A_7] : memref<2304xi32, #tpu.memory_space<vmem>> -> memref<384xi32, #tpu.memory_space<vmem>>
    %dma_start3A_9 = arith.constant 0 : i32
    %dma_start3A_10 = arith.constant 0 : i32
    %dma_start3A_11 = tpu.memref_slice %arg2[%dma_start3A_9, %dma_start3A_10] : memref<32768x128xf32, #tpu.memory_space<hbm>> -> memref<32768x128xf32, #tpu.memory_space<hbm>>
    tpu.enqueue_indirect_dma source(%dma_start3A_11 : memref<32768x128xf32, #tpu.memory_space<hbm>>) target(%arg7 : memref<384x128xf32, #tpu.memory_space<vmem>>) offsets(%dma_start3A_8 : memref<384xi32, #tpu.memory_space<vmem>>) semaphore(%arg9 : memref<!tpu.dma_semaphore, #tpu.memory_space<semaphore_mem>>)
    %dma_wait3A = arith.constant 0 : i32
    %dma_wait3A_12 = tpu.memref_slice %arg5[%dma_wait3A] : memref<2304xi32, #tpu.memory_space<vmem>> -> memref<384xi32, #tpu.memory_space<vmem>>
    %dma_wait3A_13 = arith.constant 0 : i32
    %dma_wait3A_14 = arith.constant 0 : i32
    %dma_wait3A_15 = tpu.memref_slice %arg2[%dma_wait3A_13, %dma_wait3A_14] : memref<32768x128xf32, #tpu.memory_space<hbm>> -> memref<32768x128xf32, #tpu.memory_space<hbm>>
    tpu.wait_indirect_dma semaphore(%arg8 : memref<!tpu.dma_semaphore, #tpu.memory_space<semaphore_mem>>) src(%dma_wait3A_15 : memref<32768x128xf32, #tpu.memory_space<hbm>>) dst(%arg6 : memref<384x128xf32, #tpu.memory_space<vmem>>)
    %add3A_16 = arith.constant 0 : i32
    %add3A_17 = arith.addi %mul3A_2, %add3A_16 : i32
    "tpu.region"() ({
      %run_scoped3A = tpu.sem_alloc : memref<!tpu.dma_semaphore, #tpu.memory_space<semaphore_mem>>
      %dma_start3A_73 = arith.constant 0 : i32
      %dma_start3A_74 = tpu.memref_slice %arg4[%add3A_17, %dma_start3A_73] : memref<73728x128xf32, #tpu.memory_space<hbm>> -> memref<384x128xf32, #tpu.memory_space<hbm>>
      %dma_start3A_75 = arith.constant 0 : i32
      %dma_start3A_76 = tpu.memref_slice %arg4[%add3A_17, %dma_start3A_75] : memref<73728x128xf32, #tpu.memory_space<hbm>> -> memref<384x128xf32, #tpu.memory_space<hbm>>
      tpu.enqueue_dma source(%arg6 : memref<384x128xf32, #tpu.memory_space<vmem>>) target(%dma_start3A_76 : memref<384x128xf32, #tpu.memory_space<hbm>>) target_semaphore(%run_scoped3A : memref<!tpu.dma_semaphore, #tpu.memory_space<semaphore_mem>>)
      %dma_wait3A_77 = arith.constant 0 : i32
      %dma_wait3A_78 = tpu.memref_slice %arg4[%add3A_17, %dma_wait3A_77] : memref<73728x128xf32, #tpu.memory_space<hbm>> -> memref<384x128xf32, #tpu.memory_space<hbm>>
      %dma_wait3A_79 = arith.constant 0 : i32
      %dma_wait3A_80 = tpu.memref_slice %arg4[%add3A_17, %dma_wait3A_79] : memref<73728x128xf32, #tpu.memory_space<hbm>> -> memref<384x128xf32, #tpu.memory_space<hbm>>
      tpu.wait_dma2 semaphore(%run_scoped3A : memref<!tpu.dma_semaphore, #tpu.memory_space<semaphore_mem>>) src(%arg6 : memref<384x128xf32, #tpu.memory_space<vmem>>) dst(%dma_wait3A_80 : memref<384x128xf32, #tpu.memory_space<hbm>>)
      tpu.yield
    }) : () -> ()
    %dma_start3A_18 = arith.constant 768 : i32
    %dma_start3A_19 = tpu.memref_slice %arg5[%dma_start3A_18] : memref<2304xi32, #tpu.memory_space<vmem>> -> memref<384xi32, #tpu.memory_space<vmem>>
    %dma_start3A_20 = arith.constant 0 : i32
    %dma_start3A_21 = arith.constant 0 : i32
    %dma_start3A_22 = tpu.memref_slice %arg2[%dma_start3A_20, %dma_start3A_21] : memref<32768x128xf32, #tpu.memory_space<hbm>> -> memref<32768x128xf32, #tpu.memory_space<hbm>>
    tpu.enqueue_indirect_dma source(%dma_start3A_22 : memref<32768x128xf32, #tpu.memory_space<hbm>>) target(%arg6 : memref<384x128xf32, #tpu.memory_space<vmem>>) offsets(%dma_start3A_19 : memref<384xi32, #tpu.memory_space<vmem>>) semaphore(%arg8 : memref<!tpu.dma_semaphore, #tpu.memory_space<semaphore_mem>>)
    %dma_wait3A_23 = arith.constant 384 : i32
    %dma_wait3A_24 = tpu.memref_slice %arg5[%dma_wait3A_23] : memref<2304xi32, #tpu.memory_space<vmem>> -> memref<384xi32, #tpu.memory_space<vmem>>
    %dma_wait3A_25 = arith.constant 0 : i32
    %dma_wait3A_26 = arith.constant 0 : i32
    %dma_wait3A_27 = tpu.memref_slice %arg2[%dma_wait3A_25, %dma_wait3A_26] : memref<32768x128xf32, #tpu.memory_space<hbm>> -> memref<32768x128xf32, #tpu.memory_space<hbm>>
    tpu.wait_indirect_dma semaphore(%arg9 : memref<!tpu.dma_semaphore, #tpu.memory_space<semaphore_mem>>) src(%dma_wait3A_27 : memref<32768x128xf32, #tpu.memory_space<hbm>>) dst(%arg7 : memref<384x128xf32, #tpu.memory_space<vmem>>)
    %add3A_28 = arith.constant 384 : i32
    %add3A_29 = arith.addi %mul3A_2, %add3A_28 : i32
    "tpu.region"() ({
      %run_scoped3A = tpu.sem_alloc : memref<!tpu.dma_semaphore, #tpu.memory_space<semaphore_mem>>
      %dma_start3A_73 = arith.constant 0 : i32
      %dma_start3A_74 = tpu.memref_slice %arg4[%add3A_29, %dma_start3A_73] : memref<73728x128xf32, #tpu.memory_space<hbm>> -> memref<384x128xf32, #tpu.memory_space<hbm>>
      %dma_start3A_75 = arith.constant 0 : i32
      %dma_start3A_76 = tpu.memref_slice %arg4[%add3A_29, %dma_start3A_75] : memref<73728x128xf32, #tpu.memory_space<hbm>> -> memref<384x128xf32, #tpu.memory_space<hbm>>
      tpu.enqueue_dma source(%arg7 : memref<384x128xf32, #tpu.memory_space<vmem>>) target(%dma_start3A_76 : memref<384x128xf32, #tpu.memory_space<hbm>>) target_semaphore(%run_scoped3A : memref<!tpu.dma_semaphore, #tpu.memory_space<semaphore_mem>>)
      %dma_wait3A_77 = arith.constant 0 : i32
      %dma_wait3A_78 = tpu.memref_slice %arg4[%add3A_29, %dma_wait3A_77] : memref<73728x128xf32, #tpu.memory_space<hbm>> -> memref<384x128xf32, #tpu.memory_space<hbm>>
      %dma_wait3A_79 = arith.constant 0 : i32
      %dma_wait3A_80 = tpu.memref_slice %arg4[%add3A_29, %dma_wait3A_79] : memref<73728x128xf32, #tpu.memory_space<hbm>> -> memref<384x128xf32, #tpu.memory_space<hbm>>
      tpu.wait_dma2 semaphore(%run_scoped3A : memref<!tpu.dma_semaphore, #tpu.memory_space<semaphore_mem>>) src(%arg7 : memref<384x128xf32, #tpu.memory_space<vmem>>) dst(%dma_wait3A_80 : memref<384x128xf32, #tpu.memory_space<hbm>>)
      tpu.yield
    }) : () -> ()
    %dma_start3A_30 = arith.constant 1152 : i32
    %dma_start3A_31 = tpu.memref_slice %arg5[%dma_start3A_30] : memref<2304xi32, #tpu.memory_space<vmem>> -> memref<384xi32, #tpu.memory_space<vmem>>
    %dma_start3A_32 = arith.constant 0 : i32
    %dma_start3A_33 = arith.constant 0 : i32
    %dma_start3A_34 = tpu.memref_slice %arg2[%dma_start3A_32, %dma_start3A_33] : memref<32768x128xf32, #tpu.memory_space<hbm>> -> memref<32768x128xf32, #tpu.memory_space<hbm>>
    tpu.enqueue_indirect_dma source(%dma_start3A_34 : memref<32768x128xf32, #tpu.memory_space<hbm>>) target(%arg7 : memref<384x128xf32, #tpu.memory_space<vmem>>) offsets(%dma_start3A_31 : memref<384xi32, #tpu.memory_space<vmem>>) semaphore(%arg9 : memref<!tpu.dma_semaphore, #tpu.memory_space<semaphore_mem>>)
    %dma_wait3A_35 = arith.constant 768 : i32
    %dma_wait3A_36 = tpu.memref_slice %arg5[%dma_wait3A_35] : memref<2304xi32, #tpu.memory_space<vmem>> -> memref<384xi32, #tpu.memory_space<vmem>>
    %dma_wait3A_37 = arith.constant 0 : i32
    %dma_wait3A_38 = arith.constant 0 : i32
    %dma_wait3A_39 = tpu.memref_slice %arg2[%dma_wait3A_37, %dma_wait3A_38] : memref<32768x128xf32, #tpu.memory_space<hbm>> -> memref<32768x128xf32, #tpu.memory_space<hbm>>
    tpu.wait_indirect_dma semaphore(%arg8 : memref<!tpu.dma_semaphore, #tpu.memory_space<semaphore_mem>>) src(%dma_wait3A_39 : memref<32768x128xf32, #tpu.memory_space<hbm>>) dst(%arg6 : memref<384x128xf32, #tpu.memory_space<vmem>>)
    %add3A_40 = arith.constant 768 : i32
    %add3A_41 = arith.addi %mul3A_2, %add3A_40 : i32
    "tpu.region"() ({
      %run_scoped3A = tpu.sem_alloc : memref<!tpu.dma_semaphore, #tpu.memory_space<semaphore_mem>>
      %dma_start3A_73 = arith.constant 0 : i32
      %dma_start3A_74 = tpu.memref_slice %arg4[%add3A_41, %dma_start3A_73] : memref<73728x128xf32, #tpu.memory_space<hbm>> -> memref<384x128xf32, #tpu.memory_space<hbm>>
      %dma_start3A_75 = arith.constant 0 : i32
      %dma_start3A_76 = tpu.memref_slice %arg4[%add3A_41, %dma_start3A_75] : memref<73728x128xf32, #tpu.memory_space<hbm>> -> memref<384x128xf32, #tpu.memory_space<hbm>>
      tpu.enqueue_dma source(%arg6 : memref<384x128xf32, #tpu.memory_space<vmem>>) target(%dma_start3A_76 : memref<384x128xf32, #tpu.memory_space<hbm>>) target_semaphore(%run_scoped3A : memref<!tpu.dma_semaphore, #tpu.memory_space<semaphore_mem>>)
      %dma_wait3A_77 = arith.constant 0 : i32
      %dma_wait3A_78 = tpu.memref_slice %arg4[%add3A_41, %dma_wait3A_77] : memref<73728x128xf32, #tpu.memory_space<hbm>> -> memref<384x128xf32, #tpu.memory_space<hbm>>
      %dma_wait3A_79 = arith.constant 0 : i32
      %dma_wait3A_80 = tpu.memref_slice %arg4[%add3A_41, %dma_wait3A_79] : memref<73728x128xf32, #tpu.memory_space<hbm>> -> memref<384x128xf32, #tpu.memory_space<hbm>>
      tpu.wait_dma2 semaphore(%run_scoped3A : memref<!tpu.dma_semaphore, #tpu.memory_space<semaphore_mem>>) src(%arg6 : memref<384x128xf32, #tpu.memory_space<vmem>>) dst(%dma_wait3A_80 : memref<384x128xf32, #tpu.memory_space<hbm>>)
      tpu.yield
    }) : () -> ()
    %dma_start3A_42 = arith.constant 1536 : i32
    %dma_start3A_43 = tpu.memref_slice %arg5[%dma_start3A_42] : memref<2304xi32, #tpu.memory_space<vmem>> -> memref<384xi32, #tpu.memory_space<vmem>>
    %dma_start3A_44 = arith.constant 0 : i32
    %dma_start3A_45 = arith.constant 0 : i32
    %dma_start3A_46 = tpu.memref_slice %arg2[%dma_start3A_44, %dma_start3A_45] : memref<32768x128xf32, #tpu.memory_space<hbm>> -> memref<32768x128xf32, #tpu.memory_space<hbm>>
    tpu.enqueue_indirect_dma source(%dma_start3A_46 : memref<32768x128xf32, #tpu.memory_space<hbm>>) target(%arg6 : memref<384x128xf32, #tpu.memory_space<vmem>>) offsets(%dma_start3A_43 : memref<384xi32, #tpu.memory_space<vmem>>) semaphore(%arg8 : memref<!tpu.dma_semaphore, #tpu.memory_space<semaphore_mem>>)
    %dma_wait3A_47 = arith.constant 1152 : i32
    %dma_wait3A_48 = tpu.memref_slice %arg5[%dma_wait3A_47] : memref<2304xi32, #tpu.memory_space<vmem>> -> memref<384xi32, #tpu.memory_space<vmem>>
    %dma_wait3A_49 = arith.constant 0 : i32
    %dma_wait3A_50 = arith.constant 0 : i32
    %dma_wait3A_51 = tpu.memref_slice %arg2[%dma_wait3A_49, %dma_wait3A_50] : memref<32768x128xf32, #tpu.memory_space<hbm>> -> memref<32768x128xf32, #tpu.memory_space<hbm>>
    tpu.wait_indirect_dma semaphore(%arg9 : memref<!tpu.dma_semaphore, #tpu.memory_space<semaphore_mem>>) src(%dma_wait3A_51 : memref<32768x128xf32, #tpu.memory_space<hbm>>) dst(%arg7 : memref<384x128xf32, #tpu.memory_space<vmem>>)
    %add3A_52 = arith.constant 1152 : i32
    %add3A_53 = arith.addi %mul3A_2, %add3A_52 : i32
    "tpu.region"() ({
      %run_scoped3A = tpu.sem_alloc : memref<!tpu.dma_semaphore, #tpu.memory_space<semaphore_mem>>
      %dma_start3A_73 = arith.constant 0 : i32
      %dma_start3A_74 = tpu.memref_slice %arg4[%add3A_53, %dma_start3A_73] : memref<73728x128xf32, #tpu.memory_space<hbm>> -> memref<384x128xf32, #tpu.memory_space<hbm>>
      %dma_start3A_75 = arith.constant 0 : i32
      %dma_start3A_76 = tpu.memref_slice %arg4[%add3A_53, %dma_start3A_75] : memref<73728x128xf32, #tpu.memory_space<hbm>> -> memref<384x128xf32, #tpu.memory_space<hbm>>
      tpu.enqueue_dma source(%arg7 : memref<384x128xf32, #tpu.memory_space<vmem>>) target(%dma_start3A_76 : memref<384x128xf32, #tpu.memory_space<hbm>>) target_semaphore(%run_scoped3A : memref<!tpu.dma_semaphore, #tpu.memory_space<semaphore_mem>>)
      %dma_wait3A_77 = arith.constant 0 : i32
      %dma_wait3A_78 = tpu.memref_slice %arg4[%add3A_53, %dma_wait3A_77] : memref<73728x128xf32, #tpu.memory_space<hbm>> -> memref<384x128xf32, #tpu.memory_space<hbm>>
      %dma_wait3A_79 = arith.constant 0 : i32
      %dma_wait3A_80 = tpu.memref_slice %arg4[%add3A_53, %dma_wait3A_79] : memref<73728x128xf32, #tpu.memory_space<hbm>> -> memref<384x128xf32, #tpu.memory_space<hbm>>
      tpu.wait_dma2 semaphore(%run_scoped3A : memref<!tpu.dma_semaphore, #tpu.memory_space<semaphore_mem>>) src(%arg7 : memref<384x128xf32, #tpu.memory_space<vmem>>) dst(%dma_wait3A_80 : memref<384x128xf32, #tpu.memory_space<hbm>>)
      tpu.yield
    }) : () -> ()
    %dma_start3A_54 = arith.constant 1920 : i32
    %dma_start3A_55 = tpu.memref_slice %arg5[%dma_start3A_54] : memref<2304xi32, #tpu.memory_space<vmem>> -> memref<384xi32, #tpu.memory_space<vmem>>
    %dma_start3A_56 = arith.constant 0 : i32
    %dma_start3A_57 = arith.constant 0 : i32
    %dma_start3A_58 = tpu.memref_slice %arg2[%dma_start3A_56, %dma_start3A_57] : memref<32768x128xf32, #tpu.memory_space<hbm>> -> memref<32768x128xf32, #tpu.memory_space<hbm>>
    tpu.enqueue_indirect_dma source(%dma_start3A_58 : memref<32768x128xf32, #tpu.memory_space<hbm>>) target(%arg7 : memref<384x128xf32, #tpu.memory_space<vmem>>) offsets(%dma_start3A_55 : memref<384xi32, #tpu.memory_space<vmem>>) semaphore(%arg9 : memref<!tpu.dma_semaphore, #tpu.memory_space<semaphore_mem>>)
    %dma_wait3A_59 = arith.constant 1536 : i32
    %dma_wait3A_60 = tpu.memref_slice %arg5[%dma_wait3A_59] : memref<2304xi32, #tpu.memory_space<vmem>> -> memref<384xi32, #tpu.memory_space<vmem>>
    %dma_wait3A_61 = arith.constant 0 : i32
    %dma_wait3A_62 = arith.constant 0 : i32
    %dma_wait3A_63 = tpu.memref_slice %arg2[%dma_wait3A_61, %dma_wait3A_62] : memref<32768x128xf32, #tpu.memory_space<hbm>> -> memref<32768x128xf32, #tpu.memory_space<hbm>>
    tpu.wait_indirect_dma semaphore(%arg8 : memref<!tpu.dma_semaphore, #tpu.memory_space<semaphore_mem>>) src(%dma_wait3A_63 : memref<32768x128xf32, #tpu.memory_space<hbm>>) dst(%arg6 : memref<384x128xf32, #tpu.memory_space<vmem>>)
    %add3A_64 = arith.constant 1536 : i32
    %add3A_65 = arith.addi %mul3A_2, %add3A_64 : i32
    "tpu.region"() ({
      %run_scoped3A = tpu.sem_alloc : memref<!tpu.dma_semaphore, #tpu.memory_space<semaphore_mem>>
      %dma_start3A_73 = arith.constant 0 : i32
      %dma_start3A_74 = tpu.memref_slice %arg4[%add3A_65, %dma_start3A_73] : memref<73728x128xf32, #tpu.memory_space<hbm>> -> memref<384x128xf32, #tpu.memory_space<hbm>>
      %dma_start3A_75 = arith.constant 0 : i32
      %dma_start3A_76 = tpu.memref_slice %arg4[%add3A_65, %dma_start3A_75] : memref<73728x128xf32, #tpu.memory_space<hbm>> -> memref<384x128xf32, #tpu.memory_space<hbm>>
      tpu.enqueue_dma source(%arg6 : memref<384x128xf32, #tpu.memory_space<vmem>>) target(%dma_start3A_76 : memref<384x128xf32, #tpu.memory_space<hbm>>) target_semaphore(%run_scoped3A : memref<!tpu.dma_semaphore, #tpu.memory_space<semaphore_mem>>)
      %dma_wait3A_77 = arith.constant 0 : i32
      %dma_wait3A_78 = tpu.memref_slice %arg4[%add3A_65, %dma_wait3A_77] : memref<73728x128xf32, #tpu.memory_space<hbm>> -> memref<384x128xf32, #tpu.memory_space<hbm>>
      %dma_wait3A_79 = arith.constant 0 : i32
      %dma_wait3A_80 = tpu.memref_slice %arg4[%add3A_65, %dma_wait3A_79] : memref<73728x128xf32, #tpu.memory_space<hbm>> -> memref<384x128xf32, #tpu.memory_space<hbm>>
      tpu.wait_dma2 semaphore(%run_scoped3A : memref<!tpu.dma_semaphore, #tpu.memory_space<semaphore_mem>>) src(%arg6 : memref<384x128xf32, #tpu.memory_space<vmem>>) dst(%dma_wait3A_80 : memref<384x128xf32, #tpu.memory_space<hbm>>)
      tpu.yield
    }) : () -> ()
    %dma_wait3A_66 = arith.constant 1920 : i32
    %dma_wait3A_67 = tpu.memref_slice %arg5[%dma_wait3A_66] : memref<2304xi32, #tpu.memory_space<vmem>> -> memref<384xi32, #tpu.memory_space<vmem>>
    %dma_wait3A_68 = arith.constant 0 : i32
    %dma_wait3A_69 = arith.constant 0 : i32
    %dma_wait3A_70 = tpu.memref_slice %arg2[%dma_wait3A_68, %dma_wait3A_69] : memref<32768x128xf32, #tpu.memory_space<hbm>> -> memref<32768x128xf32, #tpu.memory_space<hbm>>
    tpu.wait_indirect_dma semaphore(%arg9 : memref<!tpu.dma_semaphore, #tpu.memory_space<semaphore_mem>>) src(%dma_wait3A_70 : memref<32768x128xf32, #tpu.memory_space<hbm>>) dst(%arg7 : memref<384x128xf32, #tpu.memory_space<vmem>>)
    %add3A_71 = arith.constant 1920 : i32
    %add3A_72 = arith.addi %mul3A_2, %add3A_71 : i32
    "tpu.region"() ({
      %run_scoped3A = tpu.sem_alloc : memref<!tpu.dma_semaphore, #tpu.memory_space<semaphore_mem>>
      %dma_start3A_73 = arith.constant 0 : i32
      %dma_start3A_74 = tpu.memref_slice %arg4[%add3A_72, %dma_start3A_73] : memref<73728x128xf32, #tpu.memory_space<hbm>> -> memref<384x128xf32, #tpu.memory_space<hbm>>
      %dma_start3A_75 = arith.constant 0 : i32
      %dma_start3A_76 = tpu.memref_slice %arg4[%add3A_72, %dma_start3A_75] : memref<73728x128xf32, #tpu.memory_space<hbm>> -> memref<384x128xf32, #tpu.memory_space<hbm>>
      tpu.enqueue_dma source(%arg7 : memref<384x128xf32, #tpu.memory_space<vmem>>) target(%dma_start3A_76 : memref<384x128xf32, #tpu.memory_space<hbm>>) target_semaphore(%run_scoped3A : memref<!tpu.dma_semaphore, #tpu.memory_space<semaphore_mem>>)
      %dma_wait3A_77 = arith.constant 0 : i32
      %dma_wait3A_78 = tpu.memref_slice %arg4[%add3A_72, %dma_wait3A_77] : memref<73728x128xf32, #tpu.memory_space<hbm>> -> memref<384x128xf32, #tpu.memory_space<hbm>>
      %dma_wait3A_79 = arith.constant 0 : i32
      %dma_wait3A_80 = tpu.memref_slice %arg4[%add3A_72, %dma_wait3A_79] : memref<73728x128xf32, #tpu.memory_space<hbm>> -> memref<384x128xf32, #tpu.memory_space<hbm>>
      tpu.wait_dma2 semaphore(%run_scoped3A : memref<!tpu.dma_semaphore, #tpu.memory_space<semaphore_mem>>) src(%arg7 : memref<384x128xf32, #tpu.memory_space<vmem>>) dst(%dma_wait3A_80 : memref<384x128xf32, #tpu.memory_space<hbm>>)
      tpu.yield
    }) : () -> ()
    return
  }
}

module attributes {stable_mosaic.version = 14 : i64} {
  func.func @_vq_body(%arg0: i32, %arg1: memref<576x256xf32, #tpu.memory_space<vmem>>, %arg2: memref<4x64x8192xf32, #tpu.memory_space<vmem>>, %arg3: memref<576x4xf32, #tpu.memory_space<vmem>>, %arg4: memref<4x8192xf32, #tpu.memory_space<vmem>>, %arg5: memref<576x4xi32, #tpu.memory_space<vmem>>, %arg6: memref<576x4xi32, #tpu.memory_space<vmem>>, %arg7: memref<1x1x128xf32, #tpu.memory_space<vmem>>) attributes {dimension_semantics = [#tpu.dimension_semantics<arbitrary>], iteration_bounds = array<i64: 32>, scalar_prefetch = 0 : i64, scratch_operands = 0 : i64, tpu.core_type = #tpu.core_type<tc>, window_params = [{transform_indices = @transform_0, window_bounds = array<i64: 576, 256>}, {pipeline_mode = #tpu.pipeline_mode<synchronous>, transform_indices = @transform_1, window_bounds = array<i64: 4, 64, 8192>}, {transform_indices = @transform_2, window_bounds = array<i64: 576, 4>}, {pipeline_mode = #tpu.pipeline_mode<synchronous>, transform_indices = @transform_3, window_bounds = array<i64: 4, 8192>}, {transform_indices = @transform_4, window_bounds = array<i64: 576, 4>}, {transform_indices = @transform_5, window_bounds = array<i64: 576, 4>}, {transform_indices = @transform_6, window_bounds = array<i64: 1, 1, 128>}]} {
    %get3A = arith.constant 0 : index
    %get3A_0 = arith.constant 0 : index
    %get3A_1 = vector.load %arg1[%get3A, %get3A_0] : memref<576x256xf32, #tpu.memory_space<vmem>>, vector<576x256xf32>
    %slice3A = vector.extract_strided_slice %get3A_1 {offsets = [0, 0], sizes = [576, 64], strides = [1, 1]} : vector<576x256xf32> to vector<576x64xf32>
    %get3A_2 = arith.constant 0 : index
    %get3A_3 = arith.constant 0 : index
    %get3A_4 = arith.constant 0 : index
    %get3A_5 = vector.load %arg2[%get3A_2, %get3A_3, %get3A_4] : memref<4x64x8192xf32, #tpu.memory_space<vmem>>, vector<1x64x8192xf32>
    %get3A_6 = vector.shape_cast %get3A_5 : vector<1x64x8192xf32> to vector<64x8192xf32>
    %convert_element_type3A = arith.truncf %slice3A : vector<576x64xf32> to vector<576x64xbf16>
    %convert_element_type3A_7 = arith.truncf %get3A_6 : vector<64x8192xf32> to vector<64x8192xbf16>
    %dot_general3A = arith.constant dense<0.000000e+00> : vector<576x8192xf32>
    %dot_general3A_8 = tpu.matmul %convert_element_type3A, %convert_element_type3A_7, %dot_general3A {dimension_numbers = #tpu.dot_dimension_numbers<[1], [0], [0], [1], [0, 0, 1, 1], [], []>, transpose_lhs_hint = false} : vector<576x64xbf16>, vector<64x8192xbf16>, vector<576x8192xf32> -> vector<576x8192xf32>
    %get3A_9 = arith.constant 0 : index
    %get3A_10 = arith.constant 0 : index
    %get3A_11 = vector.load %arg3[%get3A_9, %get3A_10] : memref<576x4xf32, #tpu.memory_space<vmem>>, vector<576x1xf32>
    %get3A_12 = arith.constant 0 : index
    %get3A_13 = arith.constant 0 : index
    %get3A_14 = vector.load %arg4[%get3A_12, %get3A_13] : memref<4x8192xf32, #tpu.memory_space<vmem>>, vector<1x8192xf32>
    %add3A = vector.broadcast %get3A_11 : vector<576x1xf32> to vector<576x8192xf32>
    %add3A_15 = vector.broadcast %get3A_14 : vector<1x8192xf32> to vector<576x8192xf32>
    %add3A_16 = arith.addf %add3A, %add3A_15 : vector<576x8192xf32>
    %mul3A = arith.constant 2.000000e+00 : f32
    %mul3A_17 = vector.broadcast %mul3A : f32 to vector<576x8192xf32>
    %mul3A_18 = arith.mulf %mul3A_17, %dot_general3A_8 : vector<576x8192xf32>
    %sub3A = arith.subf %add3A_16, %mul3A_18 : vector<576x8192xf32>
    %iota3A = tpu.iota {dimensions = array<i32: 1>} : vector<576x4096xi32>
    %slice3A_19 = vector.extract_strided_slice %sub3A {offsets = [0, 0], sizes = [576, 4096], strides = [1, 1]} : vector<576x8192xf32> to vector<576x4096xf32>
    %reduce_min3A = arith.constant dense<0x7F800000> : vector<576xf32>
    %reduce_min3A_20 = vector.multi_reduction <minimumf>, %slice3A_19, %reduce_min3A [1] : vector<576x4096xf32> to vector<576xf32>
    %broadcast_in_dim3A = vector.shape_cast %reduce_min3A_20 : vector<576xf32> to vector<576x1xf32>
    %eq3A = vector.broadcast %broadcast_in_dim3A : vector<576x1xf32> to vector<576x4096xf32>
    %eq3A_21 = arith.cmpf oeq, %slice3A_19, %eq3A : vector<576x4096xf32>
    %jit3A = arith.constant 1073741824 : i32
    %broadcast_in_dim3A_22 = vector.broadcast %jit3A : i32 to vector<576x4096xi32>
    %select_n3A = arith.select %eq3A_21, %iota3A, %broadcast_in_dim3A_22 : vector<576x4096xi1>, vector<576x4096xi32>
    %reduce_min3A_23 = arith.constant dense<2147483647> : vector<576xi32>
    %reduce_min3A_24 = vector.multi_reduction <minsi>, %select_n3A, %reduce_min3A_23 [1] : vector<576x4096xi32> to vector<576xi32>
    %broadcast_in_dim3A_25 = vector.shape_cast %reduce_min3A_24 : vector<576xi32> to vector<576x1xi32>
    %add3A_26 = arith.constant 0 : i32
    %add3A_27 = vector.broadcast %add3A_26 : i32 to vector<576x1xi32>
    %add3A_28 = arith.addi %broadcast_in_dim3A_25, %add3A_27 : vector<576x1xi32>
    %slice3A_29 = vector.extract_strided_slice %sub3A {offsets = [0, 4096], sizes = [576, 4096], strides = [1, 1]} : vector<576x8192xf32> to vector<576x4096xf32>
    %reduce_min3A_30 = arith.constant dense<0x7F800000> : vector<576xf32>
    %reduce_min3A_31 = vector.multi_reduction <minimumf>, %slice3A_29, %reduce_min3A_30 [1] : vector<576x4096xf32> to vector<576xf32>
    %broadcast_in_dim3A_32 = vector.shape_cast %reduce_min3A_31 : vector<576xf32> to vector<576x1xf32>
    %eq3A_33 = vector.broadcast %broadcast_in_dim3A_32 : vector<576x1xf32> to vector<576x4096xf32>
    %eq3A_34 = arith.cmpf oeq, %slice3A_29, %eq3A_33 : vector<576x4096xf32>
    %jit3A_35 = arith.constant 1073741824 : i32
    %broadcast_in_dim3A_36 = vector.broadcast %jit3A_35 : i32 to vector<576x4096xi32>
    %select_n3A_37 = arith.select %eq3A_34, %iota3A, %broadcast_in_dim3A_36 : vector<576x4096xi1>, vector<576x4096xi32>
    %reduce_min3A_38 = arith.constant dense<2147483647> : vector<576xi32>
    %reduce_min3A_39 = vector.multi_reduction <minsi>, %select_n3A_37, %reduce_min3A_38 [1] : vector<576x4096xi32> to vector<576xi32>
    %broadcast_in_dim3A_40 = vector.shape_cast %reduce_min3A_39 : vector<576xi32> to vector<576x1xi32>
    %add3A_41 = arith.constant 4096 : i32
    %add3A_42 = vector.broadcast %add3A_41 : i32 to vector<576x1xi32>
    %add3A_43 = arith.addi %broadcast_in_dim3A_40, %add3A_42 : vector<576x1xi32>
    %convert_element_type3A_44 = arith.truncf %broadcast_in_dim3A : vector<576x1xf32> to vector<576x1xbf16>
    %convert_element_type3A_45 = arith.extf %convert_element_type3A_44 : vector<576x1xbf16> to vector<576x1xf32>
    %lt3A = arith.cmpf olt, %broadcast_in_dim3A_32, %convert_element_type3A_45 : vector<576x1xf32>
    %select_n3A_46 = arith.select %lt3A, %add3A_43, %add3A_28 : vector<576x1xi1>, vector<576x1xi32>
    %select_n3A_47 = arith.select %lt3A, %broadcast_in_dim3A_32, %broadcast_in_dim3A : vector<576x1xi1>, vector<576x1xf32>
    %add3A_48 = arith.constant 0 : i32
    %add3A_49 = vector.broadcast %add3A_48 : i32 to vector<576x1xi32>
    %add3A_50 = arith.addi %select_n3A_46, %add3A_49 : vector<576x1xi32>
    %reduce_sum3A = vector.shape_cast %select_n3A_47 : vector<576x1xf32> to vector<1x576x1xf32>
    %reduce_sum3A_51 = arith.constant dense<0.000000e+00> : vector<1xf32>
    %reduce_sum3A_52 = vector.multi_reduction <add>, %reduce_sum3A, %reduce_sum3A_51 [1, 2] : vector<1x576x1xf32> to vector<1xf32>
    %reduce_sum3A_53 = vector.shape_cast %reduce_sum3A_52 : vector<1xf32> to vector<1x1x1xf32>
    %reduce_sum3A_54 = vector.extract %reduce_sum3A_53[0, 0, 0] : f32 from vector<1x1x1xf32>
    %add3A_55 = arith.constant 0.000000e+00 : f32
    %add3A_56 = arith.addf %add3A_55, %reduce_sum3A_54 : f32
    %slice3A_57 = vector.extract_strided_slice %get3A_1 {offsets = [0, 64], sizes = [576, 64], strides = [1, 1]} : vector<576x256xf32> to vector<576x64xf32>
    %get3A_58 = arith.constant 1 : index
    %get3A_59 = arith.constant 0 : index
    %get3A_60 = arith.constant 0 : index
    %get3A_61 = vector.load %arg2[%get3A_58, %get3A_59, %get3A_60] : memref<4x64x8192xf32, #tpu.memory_space<vmem>>, vector<1x64x8192xf32>
    %get3A_62 = vector.shape_cast %get3A_61 : vector<1x64x8192xf32> to vector<64x8192xf32>
    %convert_element_type3A_63 = arith.truncf %slice3A_57 : vector<576x64xf32> to vector<576x64xbf16>
    %convert_element_type3A_64 = arith.truncf %get3A_62 : vector<64x8192xf32> to vector<64x8192xbf16>
    %dot_general3A_65 = arith.constant dense<0.000000e+00> : vector<576x8192xf32>
    %dot_general3A_66 = tpu.matmul %convert_element_type3A_63, %convert_element_type3A_64, %dot_general3A_65 {dimension_numbers = #tpu.dot_dimension_numbers<[1], [0], [0], [1], [0, 0, 1, 1], [], []>, transpose_lhs_hint = false} : vector<576x64xbf16>, vector<64x8192xbf16>, vector<576x8192xf32> -> vector<576x8192xf32>
    %get3A_67 = arith.constant 0 : index
    %get3A_68 = arith.constant 1 : index
    %get3A_69 = vector.load %arg3[%get3A_67, %get3A_68] : memref<576x4xf32, #tpu.memory_space<vmem>>, vector<576x1xf32>
    %get3A_70 = arith.constant 1 : index
    %get3A_71 = arith.constant 0 : index
    %get3A_72 = vector.load %arg4[%get3A_70, %get3A_71] : memref<4x8192xf32, #tpu.memory_space<vmem>>, vector<1x8192xf32>
    %add3A_73 = vector.broadcast %get3A_69 : vector<576x1xf32> to vector<576x8192xf32>
    %add3A_74 = vector.broadcast %get3A_72 : vector<1x8192xf32> to vector<576x8192xf32>
    %add3A_75 = arith.addf %add3A_73, %add3A_74 : vector<576x8192xf32>
    %mul3A_76 = arith.constant 2.000000e+00 : f32
    %mul3A_77 = vector.broadcast %mul3A_76 : f32 to vector<576x8192xf32>
    %mul3A_78 = arith.mulf %mul3A_77, %dot_general3A_66 : vector<576x8192xf32>
    %sub3A_79 = arith.subf %add3A_75, %mul3A_78 : vector<576x8192xf32>
    %iota3A_80 = tpu.iota {dimensions = array<i32: 1>} : vector<576x4096xi32>
    %slice3A_81 = vector.extract_strided_slice %sub3A_79 {offsets = [0, 0], sizes = [576, 4096], strides = [1, 1]} : vector<576x8192xf32> to vector<576x4096xf32>
    %reduce_min3A_82 = arith.constant dense<0x7F800000> : vector<576xf32>
    %reduce_min3A_83 = vector.multi_reduction <minimumf>, %slice3A_81, %reduce_min3A_82 [1] : vector<576x4096xf32> to vector<576xf32>
    %broadcast_in_dim3A_84 = vector.shape_cast %reduce_min3A_83 : vector<576xf32> to vector<576x1xf32>
    %eq3A_85 = vector.broadcast %broadcast_in_dim3A_84 : vector<576x1xf32> to vector<576x4096xf32>
    %eq3A_86 = arith.cmpf oeq, %slice3A_81, %eq3A_85 : vector<576x4096xf32>
    %jit3A_87 = arith.constant 1073741824 : i32
    %broadcast_in_dim3A_88 = vector.broadcast %jit3A_87 : i32 to vector<576x4096xi32>
    %select_n3A_89 = arith.select %eq3A_86, %iota3A_80, %broadcast_in_dim3A_88 : vector<576x4096xi1>, vector<576x4096xi32>
    %reduce_min3A_90 = arith.constant dense<2147483647> : vector<576xi32>
    %reduce_min3A_91 = vector.multi_reduction <minsi>, %select_n3A_89, %reduce_min3A_90 [1] : vector<576x4096xi32> to vector<576xi32>
    %broadcast_in_dim3A_92 = vector.shape_cast %reduce_min3A_91 : vector<576xi32> to vector<576x1xi32>
    %add3A_93 = arith.constant 0 : i32
    %add3A_94 = vector.broadcast %add3A_93 : i32 to vector<576x1xi32>
    %add3A_95 = arith.addi %broadcast_in_dim3A_92, %add3A_94 : vector<576x1xi32>
    %slice3A_96 = vector.extract_strided_slice %sub3A_79 {offsets = [0, 4096], sizes = [576, 4096], strides = [1, 1]} : vector<576x8192xf32> to vector<576x4096xf32>
    %reduce_min3A_97 = arith.constant dense<0x7F800000> : vector<576xf32>
    %reduce_min3A_98 = vector.multi_reduction <minimumf>, %slice3A_96, %reduce_min3A_97 [1] : vector<576x4096xf32> to vector<576xf32>
    %broadcast_in_dim3A_99 = vector.shape_cast %reduce_min3A_98 : vector<576xf32> to vector<576x1xf32>
    %eq3A_100 = vector.broadcast %broadcast_in_dim3A_99 : vector<576x1xf32> to vector<576x4096xf32>
    %eq3A_101 = arith.cmpf oeq, %slice3A_96, %eq3A_100 : vector<576x4096xf32>
    %jit3A_102 = arith.constant 1073741824 : i32
    %broadcast_in_dim3A_103 = vector.broadcast %jit3A_102 : i32 to vector<576x4096xi32>
    %select_n3A_104 = arith.select %eq3A_101, %iota3A_80, %broadcast_in_dim3A_103 : vector<576x4096xi1>, vector<576x4096xi32>
    %reduce_min3A_105 = arith.constant dense<2147483647> : vector<576xi32>
    %reduce_min3A_106 = vector.multi_reduction <minsi>, %select_n3A_104, %reduce_min3A_105 [1] : vector<576x4096xi32> to vector<576xi32>
    %broadcast_in_dim3A_107 = vector.shape_cast %reduce_min3A_106 : vector<576xi32> to vector<576x1xi32>
    %add3A_108 = arith.constant 4096 : i32
    %add3A_109 = vector.broadcast %add3A_108 : i32 to vector<576x1xi32>
    %add3A_110 = arith.addi %broadcast_in_dim3A_107, %add3A_109 : vector<576x1xi32>
    %convert_element_type3A_111 = arith.truncf %broadcast_in_dim3A_84 : vector<576x1xf32> to vector<576x1xbf16>
    %convert_element_type3A_112 = arith.extf %convert_element_type3A_111 : vector<576x1xbf16> to vector<576x1xf32>
    %lt3A_113 = arith.cmpf olt, %broadcast_in_dim3A_99, %convert_element_type3A_112 : vector<576x1xf32>
    %select_n3A_114 = arith.select %lt3A_113, %add3A_110, %add3A_95 : vector<576x1xi1>, vector<576x1xi32>
    %select_n3A_115 = arith.select %lt3A_113, %broadcast_in_dim3A_99, %broadcast_in_dim3A_84 : vector<576x1xi1>, vector<576x1xf32>
    %add3A_116 = arith.constant 8192 : i32
    %add3A_117 = vector.broadcast %add3A_116 : i32 to vector<576x1xi32>
    %add3A_118 = arith.addi %select_n3A_114, %add3A_117 : vector<576x1xi32>
    %reduce_sum3A_119 = vector.shape_cast %select_n3A_115 : vector<576x1xf32> to vector<1x576x1xf32>
    %reduce_sum3A_120 = arith.constant dense<0.000000e+00> : vector<1xf32>
    %reduce_sum3A_121 = vector.multi_reduction <add>, %reduce_sum3A_119, %reduce_sum3A_120 [1, 2] : vector<1x576x1xf32> to vector<1xf32>
    %reduce_sum3A_122 = vector.shape_cast %reduce_sum3A_121 : vector<1xf32> to vector<1x1x1xf32>
    %reduce_sum3A_123 = vector.extract %reduce_sum3A_122[0, 0, 0] : f32 from vector<1x1x1xf32>
    %add3A_124 = arith.addf %add3A_56, %reduce_sum3A_123 : f32
    %slice3A_125 = vector.extract_strided_slice %get3A_1 {offsets = [0, 128], sizes = [576, 64], strides = [1, 1]} : vector<576x256xf32> to vector<576x64xf32>
    %get3A_126 = arith.constant 2 : index
    %get3A_127 = arith.constant 0 : index
    %get3A_128 = arith.constant 0 : index
    %get3A_129 = vector.load %arg2[%get3A_126, %get3A_127, %get3A_128] : memref<4x64x8192xf32, #tpu.memory_space<vmem>>, vector<1x64x8192xf32>
    %get3A_130 = vector.shape_cast %get3A_129 : vector<1x64x8192xf32> to vector<64x8192xf32>
    %convert_element_type3A_131 = arith.truncf %slice3A_125 : vector<576x64xf32> to vector<576x64xbf16>
    %convert_element_type3A_132 = arith.truncf %get3A_130 : vector<64x8192xf32> to vector<64x8192xbf16>
    %dot_general3A_133 = arith.constant dense<0.000000e+00> : vector<576x8192xf32>
    %dot_general3A_134 = tpu.matmul %convert_element_type3A_131, %convert_element_type3A_132, %dot_general3A_133 {dimension_numbers = #tpu.dot_dimension_numbers<[1], [0], [0], [1], [0, 0, 1, 1], [], []>, transpose_lhs_hint = false} : vector<576x64xbf16>, vector<64x8192xbf16>, vector<576x8192xf32> -> vector<576x8192xf32>
    %get3A_135 = arith.constant 0 : index
    %get3A_136 = arith.constant 2 : index
    %get3A_137 = vector.load %arg3[%get3A_135, %get3A_136] : memref<576x4xf32, #tpu.memory_space<vmem>>, vector<576x1xf32>
    %get3A_138 = arith.constant 2 : index
    %get3A_139 = arith.constant 0 : index
    %get3A_140 = vector.load %arg4[%get3A_138, %get3A_139] : memref<4x8192xf32, #tpu.memory_space<vmem>>, vector<1x8192xf32>
    %add3A_141 = vector.broadcast %get3A_137 : vector<576x1xf32> to vector<576x8192xf32>
    %add3A_142 = vector.broadcast %get3A_140 : vector<1x8192xf32> to vector<576x8192xf32>
    %add3A_143 = arith.addf %add3A_141, %add3A_142 : vector<576x8192xf32>
    %mul3A_144 = arith.constant 2.000000e+00 : f32
    %mul3A_145 = vector.broadcast %mul3A_144 : f32 to vector<576x8192xf32>
    %mul3A_146 = arith.mulf %mul3A_145, %dot_general3A_134 : vector<576x8192xf32>
    %sub3A_147 = arith.subf %add3A_143, %mul3A_146 : vector<576x8192xf32>
    %iota3A_148 = tpu.iota {dimensions = array<i32: 1>} : vector<576x4096xi32>
    %slice3A_149 = vector.extract_strided_slice %sub3A_147 {offsets = [0, 0], sizes = [576, 4096], strides = [1, 1]} : vector<576x8192xf32> to vector<576x4096xf32>
    %reduce_min3A_150 = arith.constant dense<0x7F800000> : vector<576xf32>
    %reduce_min3A_151 = vector.multi_reduction <minimumf>, %slice3A_149, %reduce_min3A_150 [1] : vector<576x4096xf32> to vector<576xf32>
    %broadcast_in_dim3A_152 = vector.shape_cast %reduce_min3A_151 : vector<576xf32> to vector<576x1xf32>
    %eq3A_153 = vector.broadcast %broadcast_in_dim3A_152 : vector<576x1xf32> to vector<576x4096xf32>
    %eq3A_154 = arith.cmpf oeq, %slice3A_149, %eq3A_153 : vector<576x4096xf32>
    %jit3A_155 = arith.constant 1073741824 : i32
    %broadcast_in_dim3A_156 = vector.broadcast %jit3A_155 : i32 to vector<576x4096xi32>
    %select_n3A_157 = arith.select %eq3A_154, %iota3A_148, %broadcast_in_dim3A_156 : vector<576x4096xi1>, vector<576x4096xi32>
    %reduce_min3A_158 = arith.constant dense<2147483647> : vector<576xi32>
    %reduce_min3A_159 = vector.multi_reduction <minsi>, %select_n3A_157, %reduce_min3A_158 [1] : vector<576x4096xi32> to vector<576xi32>
    %broadcast_in_dim3A_160 = vector.shape_cast %reduce_min3A_159 : vector<576xi32> to vector<576x1xi32>
    %add3A_161 = arith.constant 0 : i32
    %add3A_162 = vector.broadcast %add3A_161 : i32 to vector<576x1xi32>
    %add3A_163 = arith.addi %broadcast_in_dim3A_160, %add3A_162 : vector<576x1xi32>
    %slice3A_164 = vector.extract_strided_slice %sub3A_147 {offsets = [0, 4096], sizes = [576, 4096], strides = [1, 1]} : vector<576x8192xf32> to vector<576x4096xf32>
    %reduce_min3A_165 = arith.constant dense<0x7F800000> : vector<576xf32>
    %reduce_min3A_166 = vector.multi_reduction <minimumf>, %slice3A_164, %reduce_min3A_165 [1] : vector<576x4096xf32> to vector<576xf32>
    %broadcast_in_dim3A_167 = vector.shape_cast %reduce_min3A_166 : vector<576xf32> to vector<576x1xf32>
    %eq3A_168 = vector.broadcast %broadcast_in_dim3A_167 : vector<576x1xf32> to vector<576x4096xf32>
    %eq3A_169 = arith.cmpf oeq, %slice3A_164, %eq3A_168 : vector<576x4096xf32>
    %jit3A_170 = arith.constant 1073741824 : i32
    %broadcast_in_dim3A_171 = vector.broadcast %jit3A_170 : i32 to vector<576x4096xi32>
    %select_n3A_172 = arith.select %eq3A_169, %iota3A_148, %broadcast_in_dim3A_171 : vector<576x4096xi1>, vector<576x4096xi32>
    %reduce_min3A_173 = arith.constant dense<2147483647> : vector<576xi32>
    %reduce_min3A_174 = vector.multi_reduction <minsi>, %select_n3A_172, %reduce_min3A_173 [1] : vector<576x4096xi32> to vector<576xi32>
    %broadcast_in_dim3A_175 = vector.shape_cast %reduce_min3A_174 : vector<576xi32> to vector<576x1xi32>
    %add3A_176 = arith.constant 4096 : i32
    %add3A_177 = vector.broadcast %add3A_176 : i32 to vector<576x1xi32>
    %add3A_178 = arith.addi %broadcast_in_dim3A_175, %add3A_177 : vector<576x1xi32>
    %convert_element_type3A_179 = arith.truncf %broadcast_in_dim3A_152 : vector<576x1xf32> to vector<576x1xbf16>
    %convert_element_type3A_180 = arith.extf %convert_element_type3A_179 : vector<576x1xbf16> to vector<576x1xf32>
    %lt3A_181 = arith.cmpf olt, %broadcast_in_dim3A_167, %convert_element_type3A_180 : vector<576x1xf32>
    %select_n3A_182 = arith.select %lt3A_181, %add3A_178, %add3A_163 : vector<576x1xi1>, vector<576x1xi32>
    %select_n3A_183 = arith.select %lt3A_181, %broadcast_in_dim3A_167, %broadcast_in_dim3A_152 : vector<576x1xi1>, vector<576x1xf32>
    %add3A_184 = arith.constant 16384 : i32
    %add3A_185 = vector.broadcast %add3A_184 : i32 to vector<576x1xi32>
    %add3A_186 = arith.addi %select_n3A_182, %add3A_185 : vector<576x1xi32>
    %reduce_sum3A_187 = vector.shape_cast %select_n3A_183 : vector<576x1xf32> to vector<1x576x1xf32>
    %reduce_sum3A_188 = arith.constant dense<0.000000e+00> : vector<1xf32>
    %reduce_sum3A_189 = vector.multi_reduction <add>, %reduce_sum3A_187, %reduce_sum3A_188 [1, 2] : vector<1x576x1xf32> to vector<1xf32>
    %reduce_sum3A_190 = vector.shape_cast %reduce_sum3A_189 : vector<1xf32> to vector<1x1x1xf32>
    %reduce_sum3A_191 = vector.extract %reduce_sum3A_190[0, 0, 0] : f32 from vector<1x1x1xf32>
    %add3A_192 = arith.addf %add3A_124, %reduce_sum3A_191 : f32
    %slice3A_193 = vector.extract_strided_slice %get3A_1 {offsets = [0, 192], sizes = [576, 64], strides = [1, 1]} : vector<576x256xf32> to vector<576x64xf32>
    %get3A_194 = arith.constant 3 : index
    %get3A_195 = arith.constant 0 : index
    %get3A_196 = arith.constant 0 : index
    %get3A_197 = vector.load %arg2[%get3A_194, %get3A_195, %get3A_196] : memref<4x64x8192xf32, #tpu.memory_space<vmem>>, vector<1x64x8192xf32>
    %get3A_198 = vector.shape_cast %get3A_197 : vector<1x64x8192xf32> to vector<64x8192xf32>
    %convert_element_type3A_199 = arith.truncf %slice3A_193 : vector<576x64xf32> to vector<576x64xbf16>
    %convert_element_type3A_200 = arith.truncf %get3A_198 : vector<64x8192xf32> to vector<64x8192xbf16>
    %dot_general3A_201 = arith.constant dense<0.000000e+00> : vector<576x8192xf32>
    %dot_general3A_202 = tpu.matmul %convert_element_type3A_199, %convert_element_type3A_200, %dot_general3A_201 {dimension_numbers = #tpu.dot_dimension_numbers<[1], [0], [0], [1], [0, 0, 1, 1], [], []>, transpose_lhs_hint = false} : vector<576x64xbf16>, vector<64x8192xbf16>, vector<576x8192xf32> -> vector<576x8192xf32>
    %get3A_203 = arith.constant 0 : index
    %get3A_204 = arith.constant 3 : index
    %get3A_205 = vector.load %arg3[%get3A_203, %get3A_204] : memref<576x4xf32, #tpu.memory_space<vmem>>, vector<576x1xf32>
    %get3A_206 = arith.constant 3 : index
    %get3A_207 = arith.constant 0 : index
    %get3A_208 = vector.load %arg4[%get3A_206, %get3A_207] : memref<4x8192xf32, #tpu.memory_space<vmem>>, vector<1x8192xf32>
    %add3A_209 = vector.broadcast %get3A_205 : vector<576x1xf32> to vector<576x8192xf32>
    %add3A_210 = vector.broadcast %get3A_208 : vector<1x8192xf32> to vector<576x8192xf32>
    %add3A_211 = arith.addf %add3A_209, %add3A_210 : vector<576x8192xf32>
    %mul3A_212 = arith.constant 2.000000e+00 : f32
    %mul3A_213 = vector.broadcast %mul3A_212 : f32 to vector<576x8192xf32>
    %mul3A_214 = arith.mulf %mul3A_213, %dot_general3A_202 : vector<576x8192xf32>
    %sub3A_215 = arith.subf %add3A_211, %mul3A_214 : vector<576x8192xf32>
    %iota3A_216 = tpu.iota {dimensions = array<i32: 1>} : vector<576x4096xi32>
    %slice3A_217 = vector.extract_strided_slice %sub3A_215 {offsets = [0, 0], sizes = [576, 4096], strides = [1, 1]} : vector<576x8192xf32> to vector<576x4096xf32>
    %reduce_min3A_218 = arith.constant dense<0x7F800000> : vector<576xf32>
    %reduce_min3A_219 = vector.multi_reduction <minimumf>, %slice3A_217, %reduce_min3A_218 [1] : vector<576x4096xf32> to vector<576xf32>
    %broadcast_in_dim3A_220 = vector.shape_cast %reduce_min3A_219 : vector<576xf32> to vector<576x1xf32>
    %eq3A_221 = vector.broadcast %broadcast_in_dim3A_220 : vector<576x1xf32> to vector<576x4096xf32>
    %eq3A_222 = arith.cmpf oeq, %slice3A_217, %eq3A_221 : vector<576x4096xf32>
    %jit3A_223 = arith.constant 1073741824 : i32
    %broadcast_in_dim3A_224 = vector.broadcast %jit3A_223 : i32 to vector<576x4096xi32>
    %select_n3A_225 = arith.select %eq3A_222, %iota3A_216, %broadcast_in_dim3A_224 : vector<576x4096xi1>, vector<576x4096xi32>
    %reduce_min3A_226 = arith.constant dense<2147483647> : vector<576xi32>
    %reduce_min3A_227 = vector.multi_reduction <minsi>, %select_n3A_225, %reduce_min3A_226 [1] : vector<576x4096xi32> to vector<576xi32>
    %broadcast_in_dim3A_228 = vector.shape_cast %reduce_min3A_227 : vector<576xi32> to vector<576x1xi32>
    %add3A_229 = arith.constant 0 : i32
    %add3A_230 = vector.broadcast %add3A_229 : i32 to vector<576x1xi32>
    %add3A_231 = arith.addi %broadcast_in_dim3A_228, %add3A_230 : vector<576x1xi32>
    %slice3A_232 = vector.extract_strided_slice %sub3A_215 {offsets = [0, 4096], sizes = [576, 4096], strides = [1, 1]} : vector<576x8192xf32> to vector<576x4096xf32>
    %reduce_min3A_233 = arith.constant dense<0x7F800000> : vector<576xf32>
    %reduce_min3A_234 = vector.multi_reduction <minimumf>, %slice3A_232, %reduce_min3A_233 [1] : vector<576x4096xf32> to vector<576xf32>
    %broadcast_in_dim3A_235 = vector.shape_cast %reduce_min3A_234 : vector<576xf32> to vector<576x1xf32>
    %eq3A_236 = vector.broadcast %broadcast_in_dim3A_235 : vector<576x1xf32> to vector<576x4096xf32>
    %eq3A_237 = arith.cmpf oeq, %slice3A_232, %eq3A_236 : vector<576x4096xf32>
    %jit3A_238 = arith.constant 1073741824 : i32
    %broadcast_in_dim3A_239 = vector.broadcast %jit3A_238 : i32 to vector<576x4096xi32>
    %select_n3A_240 = arith.select %eq3A_237, %iota3A_216, %broadcast_in_dim3A_239 : vector<576x4096xi1>, vector<576x4096xi32>
    %reduce_min3A_241 = arith.constant dense<2147483647> : vector<576xi32>
    %reduce_min3A_242 = vector.multi_reduction <minsi>, %select_n3A_240, %reduce_min3A_241 [1] : vector<576x4096xi32> to vector<576xi32>
    %broadcast_in_dim3A_243 = vector.shape_cast %reduce_min3A_242 : vector<576xi32> to vector<576x1xi32>
    %add3A_244 = arith.constant 4096 : i32
    %add3A_245 = vector.broadcast %add3A_244 : i32 to vector<576x1xi32>
    %add3A_246 = arith.addi %broadcast_in_dim3A_243, %add3A_245 : vector<576x1xi32>
    %convert_element_type3A_247 = arith.truncf %broadcast_in_dim3A_220 : vector<576x1xf32> to vector<576x1xbf16>
    %convert_element_type3A_248 = arith.extf %convert_element_type3A_247 : vector<576x1xbf16> to vector<576x1xf32>
    %lt3A_249 = arith.cmpf olt, %broadcast_in_dim3A_235, %convert_element_type3A_248 : vector<576x1xf32>
    %select_n3A_250 = arith.select %lt3A_249, %add3A_246, %add3A_231 : vector<576x1xi1>, vector<576x1xi32>
    %select_n3A_251 = arith.select %lt3A_249, %broadcast_in_dim3A_235, %broadcast_in_dim3A_220 : vector<576x1xi1>, vector<576x1xf32>
    %add3A_252 = arith.constant 24576 : i32
    %add3A_253 = vector.broadcast %add3A_252 : i32 to vector<576x1xi32>
    %add3A_254 = arith.addi %select_n3A_250, %add3A_253 : vector<576x1xi32>
    %reduce_sum3A_255 = vector.shape_cast %select_n3A_251 : vector<576x1xf32> to vector<1x576x1xf32>
    %reduce_sum3A_256 = arith.constant dense<0.000000e+00> : vector<1xf32>
    %reduce_sum3A_257 = vector.multi_reduction <add>, %reduce_sum3A_255, %reduce_sum3A_256 [1, 2] : vector<1x576x1xf32> to vector<1xf32>
    %reduce_sum3A_258 = vector.shape_cast %reduce_sum3A_257 : vector<1xf32> to vector<1x1x1xf32>
    %reduce_sum3A_259 = vector.extract %reduce_sum3A_258[0, 0, 0] : f32 from vector<1x1x1xf32>
    %add3A_260 = arith.addf %add3A_192, %reduce_sum3A_259 : f32
    %concatenate3A = tpu.concatenate %select_n3A_46, %select_n3A_114, %select_n3A_182, %select_n3A_250 in 1 : vector<576x1xi32>, vector<576x1xi32>, vector<576x1xi32>, vector<576x1xi32> -> vector<576x4xi32>
    %swap3A = arith.constant 0 : index
    %swap3A_261 = arith.constant 0 : index
    %swap3A_262 = vector.load %arg5[%swap3A, %swap3A_261] : memref<576x4xi32, #tpu.memory_space<vmem>>, vector<576x4xi32>
    tpu.vector_store %arg5[%swap3A, %swap3A_261], %concatenate3A {strides = array<i32>} : memref<576x4xi32, #tpu.memory_space<vmem>>, vector<576x4xi32>,
    %concatenate3A_263 = tpu.concatenate %add3A_50, %add3A_118, %add3A_186, %add3A_254 in 1 : vector<576x1xi32>, vector<576x1xi32>, vector<576x1xi32>, vector<576x1xi32> -> vector<576x4xi32>
    %swap3A_264 = arith.constant 0 : index
    %swap3A_265 = arith.constant 0 : index
    %swap3A_266 = vector.load %arg6[%swap3A_264, %swap3A_265] : memref<576x4xi32, #tpu.memory_space<vmem>>, vector<576x4xi32>
    tpu.vector_store %arg6[%swap3A_264, %swap3A_265], %concatenate3A_263 {strides = array<i32>} : memref<576x4xi32, #tpu.memory_space<vmem>>, vector<576x4xi32>,
    %broadcast_in_dim3A_267 = vector.broadcast %add3A_260 : f32 to vector<1x1x128xf32>
    %jit3A_268 = arith.constant 1 : i32
    %eq3A_269 = arith.constant 0 : i32
    %eq3A_270 = arith.cmpi eq, %jit3A_268, %eq3A_269 : i32
    %jit3A_271 = arith.constant 1 : i32
    %select_n3A_272 = arith.select %eq3A_270, %jit3A_271, %jit3A_268 : i32
    %rem3A = arith.remsi %arg0, %select_n3A_272 : i32
    %ne3A = arith.constant 0 : i32
    %ne3A_273 = arith.cmpi ne, %rem3A, %ne3A : i32
    %lt3A_274 = arith.constant 0 : i32
    %lt3A_275 = arith.cmpi slt, %rem3A, %lt3A_274 : i32
    %lt3A_276 = arith.constant 0 : i32
    %lt3A_277 = arith.cmpi slt, %select_n3A_272, %lt3A_276 : i32
    %ne3A_278 = arith.xori %lt3A_275, %lt3A_277 : i1
    %and3A = arith.andi %ne3A_278, %ne3A_273 : i1
    %add3A_279 = arith.addi %rem3A, %select_n3A_272 : i32
    %select_n3A_280 = arith.select %and3A, %add3A_279, %rem3A : i32
    %eq3A_281 = arith.constant 0 : i32
    %eq3A_282 = arith.cmpi eq, %select_n3A_280, %eq3A_281 : i32
    %convert_element_type3A_283 = arith.extui %eq3A_282 : i1 to i32
    %cond3A = arith.constant 0 : i32
    %cond3A_284 = arith.cmpi ne, %convert_element_type3A_283, %cond3A : i32
    scf.if %cond3A_284 {
      %swap3A_306 = arith.constant 0 : index
      %swap3A_307 = arith.constant 0 : index
      %swap3A_308 = arith.constant 0 : index
      %swap3A_309 = vector.load %arg7[%swap3A_306, %swap3A_307, %swap3A_308] : memref<1x1x128xf32, #tpu.memory_space<vmem>>, vector<1x1x128xf32>
      tpu.vector_store %arg7[%swap3A_306, %swap3A_307, %swap3A_308], %broadcast_in_dim3A_267 {strides = array<i32>} : memref<1x1x128xf32, #tpu.memory_space<vmem>>, vector<1x1x128xf32>,
    } else {
    }
    %jit3A_285 = arith.constant 1 : i32
    %eq3A_286 = arith.constant 0 : i32
    %eq3A_287 = arith.cmpi eq, %jit3A_285, %eq3A_286 : i32
    %jit3A_288 = arith.constant 1 : i32
    %select_n3A_289 = arith.select %eq3A_287, %jit3A_288, %jit3A_285 : i32
    %rem3A_290 = arith.remsi %arg0, %select_n3A_289 : i32
    %ne3A_291 = arith.constant 0 : i32
    %ne3A_292 = arith.cmpi ne, %rem3A_290, %ne3A_291 : i32
    %lt3A_293 = arith.constant 0 : i32
    %lt3A_294 = arith.cmpi slt, %rem3A_290, %lt3A_293 : i32
    %lt3A_295 = arith.constant 0 : i32
    %lt3A_296 = arith.cmpi slt, %select_n3A_289, %lt3A_295 : i32
    %ne3A_297 = arith.xori %lt3A_294, %lt3A_296 : i1
    %and3A_298 = arith.andi %ne3A_297, %ne3A_292 : i1
    %add3A_299 = arith.addi %rem3A_290, %select_n3A_289 : i32
    %select_n3A_300 = arith.select %and3A_298, %add3A_299, %rem3A_290 : i32
    %ne3A_301 = arith.constant 0 : i32
    %ne3A_302 = arith.cmpi ne, %select_n3A_300, %ne3A_301 : i32
    %convert_element_type3A_303 = arith.extui %ne3A_302 : i1 to i32
    %cond3A_304 = arith.constant 0 : i32
    %cond3A_305 = arith.cmpi ne, %convert_element_type3A_303, %cond3A_304 : i32
    scf.if %cond3A_305 {
      %get3A_306 = arith.constant 0 : index
      %get3A_307 = arith.constant 0 : index
      %get3A_308 = arith.constant 0 : index
      %get3A_309 = vector.load %arg7[%get3A_306, %get3A_307, %get3A_308] : memref<1x1x128xf32, #tpu.memory_space<vmem>>, vector<1x1x128xf32>
      %add3A_310 = arith.addf %get3A_309, %broadcast_in_dim3A_267 : vector<1x1x128xf32>
      %swap3A_311 = arith.constant 0 : index
      %swap3A_312 = arith.constant 0 : index
      %swap3A_313 = arith.constant 0 : index
      %swap3A_314 = vector.load %arg7[%swap3A_311, %swap3A_312, %swap3A_313] : memref<1x1x128xf32, #tpu.memory_space<vmem>>, vector<1x1x128xf32>
      tpu.vector_store %arg7[%swap3A_311, %swap3A_312, %swap3A_313], %add3A_310 {strides = array<i32>} : memref<1x1x128xf32, #tpu.memory_space<vmem>>, vector<1x1x128xf32>,
    } else {
    }
    return
  }
  func.func @transform_0(%arg0: i32) -> (i32, i32) {
    %c0_i32 = arith.constant 0 : i32
    %c0_i32_0 = arith.constant 0 : i32
    return %arg0, %c0_i32 : i32, i32
  }
  func.func @transform_1(%arg0: i32) -> (i32, i32, i32) {
    %c0_i32 = arith.constant 0 : i32
    %c0_i32_0 = arith.constant 0 : i32
    %c0_i32_1 = arith.constant 0 : i32
    %c0_i32_2 = arith.constant 0 : i32
    return %c0_i32, %c0_i32_0, %c0_i32_1 : i32, i32, i32
  }
  func.func @transform_2(%arg0: i32) -> (i32, i32) {
    %c0_i32 = arith.constant 0 : i32
    %c0_i32_0 = arith.constant 0 : i32
    return %arg0, %c0_i32 : i32, i32
  }
  func.func @transform_3(%arg0: i32) -> (i32, i32) {
    %c0_i32 = arith.constant 0 : i32
    %c0_i32_0 = arith.constant 0 : i32
    %c0_i32_1 = arith.constant 0 : i32
    return %c0_i32, %c0_i32_0 : i32, i32
  }
  func.func @transform_4(%arg0: i32) -> (i32, i32) {
    %c0_i32 = arith.constant 0 : i32
    %c0_i32_0 = arith.constant 0 : i32
    return %arg0, %c0_i32 : i32, i32
  }
  func.func @transform_5(%arg0: i32) -> (i32, i32) {
    %c0_i32 = arith.constant 0 : i32
    %c0_i32_0 = arith.constant 0 : i32
    return %arg0, %c0_i32 : i32, i32
  }
  func.func @transform_6(%arg0: i32) -> (i32, i32, i32) {
    %jit3A = arith.constant 1 : i32
    %div3A = arith.divsi %arg0, %jit3A : i32
    %sign3A = arith.constant 0 : i32
    %sign3A_0 = arith.cmpi sgt, %arg0, %sign3A : i32
    %sign3A_1 = arith.extui %sign3A_0 : i1 to i32
    %sign3A_2 = arith.constant 0 : i32
    %sign3A_3 = arith.cmpi slt, %arg0, %sign3A_2 : i32
    %sign3A_4 = arith.extui %sign3A_3 : i1 to i32
    %sign3A_5 = arith.subi %sign3A_1, %sign3A_4 : i32
    %sign3A_6 = arith.constant 0 : i32
    %sign3A_7 = arith.cmpi sgt, %jit3A, %sign3A_6 : i32
    %sign3A_8 = arith.extui %sign3A_7 : i1 to i32
    %sign3A_9 = arith.constant 0 : i32
    %sign3A_10 = arith.cmpi slt, %jit3A, %sign3A_9 : i32
    %sign3A_11 = arith.extui %sign3A_10 : i1 to i32
    %sign3A_12 = arith.subi %sign3A_8, %sign3A_11 : i32
    %ne3A = arith.cmpi ne, %sign3A_5, %sign3A_12 : i32
    %rem3A = arith.remsi %arg0, %jit3A : i32
    %ne3A_13 = arith.constant 0 : i32
    %ne3A_14 = arith.cmpi ne, %rem3A, %ne3A_13 : i32
    %and3A = arith.andi %ne3A, %ne3A_14 : i1
    %sub3A = arith.constant 1 : i32
    %sub3A_15 = arith.subi %div3A, %sub3A : i32
    %select_n3A = arith.select %and3A, %sub3A_15, %div3A : i32
    %c0_i32 = arith.constant 0 : i32
    %c0_i32_16 = arith.constant 0 : i32
    %c0_i32_17 = arith.constant 0 : i32
    return %select_n3A, %c0_i32, %c0_i32_16 : i32, i32, i32
  }
}

</mosaic_0001>

<sc_bundles>
// kernel: kernel.4.cloned.1.call-start
scs
__scs_entry_jumppad:
0x0: {  	(pc) =	sbr.rel $0x88, $3  }
0x1: {  	(tag) =	ssettag $0x0;
	lr =	simm.s32 $0x1  }
0x2: {  	[smem:$0x3F9F] =	sst lr;
	_ =	strace $0xD0000000  }
0x3: {  	_ = 	snop  }
0x4: {  	_ = 	snop  }
0x5: {  	_ = 	snop  }
0x6: {  	_ = 	snop  }
0x7: {  	_ = 	snop  }
__scs_overlays_trampoline_lowered:
0x8: {  	[smem:$0x3FAE] =	sst s0  }
0x9: {  	[smem:$0x3FAF] =	sst s1  }
0xa: {  	[smem:$0x3FB0] =	sst s2  }
0xb: {  	[smem:$0x3FB1] =	sst s3  }
0xc: {  	[smem:$0x3FB2] =	sst s4  }
0xd: {  	[smem:$0x3FB3] =	sst s5  }
0xe: {  	[smem:$0x3FB4] =	sst s6  }
0xf: {  	[smem:$0x3FB5] =	sst s7  }
0x10: {  	[smem:$0x3FB6] =	sst s8  }
0x11: {  	[smem:$0x3FB7] =	sst s9;
	s0 =	simm.s32 @!p0 $0x0  }
0x12: {  	s1 =	sld [smem:$0x3F9D];
	s0 =	simm.s32 @p0 $0x1  }
0x13: {  	[smem:$0x3FB8] =	sst s0;
	s0 =	simm.s32 @!p1 $0x0  }
0x14: {  	s2 =	sld [smem:$0x3F9C];
	s0 =	simm.s32 @p1 $0x1  }
0x15: {  	[smem:$0x3FB9] =	sst s0;
	s0 =	simm.s32 @!p2 $0x0  }
0x16: {  	s3 =	sld [smem:$0x3FDB];
	s0 =	simm.s32 @p2 $0x1  }
0x17: {  	s4 =	simm.s32 $0x1BF5;
	[smem:$0x3FBB] =	sst s0  }
0x18: {  	s0 =	sld [smem:$0x3F9E];
	_ =	swait.ge [sflag:s4], $0x0  }
0x19: {  	s7 =	sld [smem:$0x3F9F]  }
0x1a: {  	s8 =	sadd.s32 $0xFFFFE003, lr  }
0x1b: {  	s9 =	sadd.s32 $0xFFFFFEF7, lr;
	s5 =	simm.s32 $0xFFFFFFFF;
	p2 =	slt.u32 s8, $0xFFFFF086  }
0x1c: {  	p1 =	slt.u32 s9, $0xF7A;
	s5 =	simm.s32 @!p2 $0x0  }
0x1d: {  	s5 =	simm.s32 @p1 $0x1;
	p0 =	seq.s32 s7, s2  }
0x1e: {  	s7 =	smul.u32 @!p0 $0xF7A, s2;
	p2 =	seq.s32 @!p0 s5, $0x0  }
0x1f: {  	s9 =	smul.u32 $0xF7A, s1;
	s8 =	simm.s32 @!p0 $0x1BF5;
	p2 =	por !p2, p0  }
0x20: {  	[sflag:s8] =	ssyncset.s32 @!p0 $0xFFFFF086;
	s6 =	sadd.s32 @!p0 s3, s7;
	s7 =	simm.s32 @!p0 $0x108  }
0x21: {  	s3 =	sadd.s32 s3, s9;
	s6 =	sadd.s32 @!p0 $0x88, s6;
	s7 =	simm.s32 @p2 $0x1082  }
0x22: {  	[simem:s7], [sflag:s8] =	dma.local @!p0 [hbm:s6], $0xF7A  }
0x23: {  	s9 =	sor.u32 $0xD0000000, s2;
	s6 =	simm.s32 $0x108;
	_ =	swait.ge @!p0 [sflag:s8], $0x0  }
0x24: {  	s3 =	sadd.s32 $0x88, s3;
	s6 =	simm.s32 @!p1 $0x1082;
	[sflag:s4] =	ssyncset.s32 $0xFFFFF086  }
0x25: {  	[simem:s6], [sflag:s4] =	dma.local [hbm:s3], $0xF7A  }
0x26: {  	[smem:$0x3F9F] =	sst s1;
	(tag) =	ssettag s2;
	_ =	strace s9  }
0x27: {  	s1 =	sld [smem:$0x3FAF]  }
0x28: {  	s2 =	sld [smem:$0x3FB0]  }
0x29: {  	s4 =	sld [smem:$0x3FB2]  }
0x2a: {  	p0 =	seq.s32 s5, $0x0;
	s5 =	sld [smem:$0x3FB3]  }
0x2b: {  	s6 =	sld [smem:$0x3FB4]  }
0x2c: {  	s7 =	sld [smem:$0x3FB5]  }
0x2d: {  	s3 =	simm.s32 $0x108;
	s8 =	sld [smem:$0x3FB6]  }
0x2e: {  	s3 =	simm.s32 @!p0 $0x1082;
	s9 =	sld [smem:$0x3FB7]  }
0x2f: {  	lr =	sadd.s32 s0, s3;
	s0 =	sld [smem:$0x3FAE]  }
0x30: {  	s3 =	sld [smem:$0x3FB1]  }
0x31: {  	[smem:$0x3FBA] =	sst s10  }
0x32: {  	s10 =	sld [smem:$0x3FB8];
	_ =	sdelay $0x3  }
0x33: {  	p0 =	seq.s32 s10, $0x1;
	s10 =	sld [smem:$0x3FBA];
	_ =	sdelay $0x3  }
0x34: {  	[smem:$0x3FBA] =	sst s10  }
0x35: {  	s10 =	sld [smem:$0x3FB9];
	_ =	sdelay $0x3  }
0x36: {  	p1 =	seq.s32 s10, $0x1;
	s10 =	sld [smem:$0x3FBA];
	_ =	sdelay $0x3  }
0x37: {  	[smem:$0x3FBA] =	sst s10  }
0x38: {  	s10 =	sld [smem:$0x3FBB]  }
0x39: {  	_ = 	snop;
	(pc) =	sbr.ind lr, $3  }
0x3a: {  	_ = 	snop  }
0x3b: {  	_ = 	snop  }
0x3c: {  	p2 =	seq.s32 s10, $0x1;
	s10 =	sld [smem:$0x3FBA]  }
0x3d: {  	_ =	shalt  }
0x3e: {  	_ =	shalt  }
0x3f: {  	_ =	shalt  }
0x40: {  	_ =	shalt  }
0x41: {  	_ =	shalt  }
0x42: {  	_ =	shalt  }
0x43: {  	_ =	shalt  }
0x44: {  	_ =	shalt  }
0x45: {  	_ =	shalt  }
0x46: {  	_ =	shalt  }
0x47: {  	_ =	shalt  }
0x48: {  	_ =	shalt  }
0x49: {  	_ =	shalt  }
0x4a: {  	_ =	shalt  }
0x4b: {  	_ =	shalt  }
0x4c: {  	_ =	shalt  }
0x4d: {  	_ =	shalt  }
0x4e: {  	_ =	shalt  }
0x4f: {  	_ =	shalt  }
0x50: {  	_ =	shalt  }
0x51: {  	_ =	shalt  }
0x52: {  	_ =	shalt  }
0x53: {  	_ =	shalt  }
0x54: {  	_ =	shalt  }
0x55: {  	_ =	shalt  }
0x56: {  	_ =	shalt  }
0x57: {  	_ =	shalt  }
0x58: {  	_ =	shalt  }
0x59: {  	_ =	shalt  }
0x5a: {  	_ =	shalt  }
0x5b: {  	_ =	shalt  }
0x5c: {  	_ =	shalt  }
0x5d: {  	_ =	shalt  }
0x5e: {  	_ =	shalt  }
0x5f: {  	_ =	shalt  }
0x60: {  	_ =	shalt  }
0x61: {  	_ =	shalt  }
0x62: {  	_ =	shalt  }
0x63: {  	_ =	shalt  }
0x64: {  	_ =	shalt  }
0x65: {  	_ =	shalt  }
0x66: {  	_ =	shalt  }
0x67: {  	_ =	shalt  }
0x68: {  	_ =	shalt  }
0x69: {  	_ =	shalt  }
0x6a: {  	_ =	shalt  }
0x6b: {  	_ =	shalt  }
0x6c: {  	_ =	shalt  }
0x6d: {  	_ =	shalt  }
0x6e: {  	_ =	shalt  }
0x6f: {  	_ =	shalt  }
0x70: {  	_ =	shalt  }
0x71: {  	_ =	shalt  }
0x72: {  	_ =	shalt  }
0x73: {  	_ =	shalt  }
0x74: {  	_ =	shalt  }
0x75: {  	_ =	shalt  }
0x76: {  	_ =	shalt  }
0x77: {  	_ =	shalt  }
0x78: {  	_ =	shalt  }
0x79: {  	_ =	shalt  }
0x7a: {  	_ =	shalt  }
0x7b: {  	_ =	shalt  }
0x7c: {  	_ =	shalt  }
0x7d: {  	_ =	shalt  }
0x7e: {  	_ =	shalt  }
0x7f: {  	_ =	shalt  }
0x80: {  	_ =	shalt  }
0x81: {  	_ =	shalt  }
0x82: {  	_ =	shalt  }
0x83: {  	_ =	shalt  }
0x84: {  	_ =	shalt  }
0x85: {  	_ =	shalt  }
0x86: {  	_ =	shalt  }
0x87: {  	_ =	shalt  }
.Lfunc_end0:
.L_simem_size_0:
called_computation_lowered:
.L_overlay_start_0:
0x88: {  	s2 =	sld [smem:$0x3FD9]  }
0x89: {  	s3 =	sld [smem:$0x3FFE];
	_ =	sdelay $0x1  }
0x8a: {  	s1 =	srdreg.scid  }
0x8b: {  	s0 =	sand.u32 $0x1, s1  }
0x8c: {  	s14 =	sshll.u32 s0, $0xA;
	s2 =	sadd.s32 s3, s2  }
0x8d: {  	s2 =	sadd.s32 s2, s14  }
0x8e: {  	[smem:$0x3FC6] =	sst s2  }
0x8f: {  	_ = 	snop  }
0x90: {  	s2 =	sld [smem:$0x3FD0];
	_ =	sdelay $0x2  }
0x91: {  	s15 =	simm.s32 $0xA;
	s4 =	simm.s32 $0x10  }
0x92: {  	[smem:s4], [sflag:s15] =	dma.local [hbm:s2], $0x1  }
0x93: {  	_ =	swait.eq [sflag:s15], $0x1  }
0x94: {  	[sflag:s15] =	ssyncset.done $0x0  }
0x95: {  	[sflag:s15] =	ssyncadd.s32 $0xFFFFFFFF  }
0x96: {  	s16 =	sld [smem:$0x10];
	(tm) =	ssettm $0x1  }
0x97: {  	s17 =	sld [smem:$0x3FFB];
	_ =	sdelay $0x3  }
0x98: {  	_ =	strace s17  }
0x99: {  	s3 =	sld [smem:$0x3FFC];
	_ =	sdelay $0x3  }
0x9a: {  	_ =	strace s3  }
0x9b: {  	s3 =	sld [smem:$0x3FFD];
	_ =	sdelay $0x3  }
0x9c: {  	_ =	strace s3  }
0x9d: {  	_ =	strace $0x8FFFFFFF  }
0x9e: {  	s18 =	sld [smem:$0x3FDB];
	_ =	sdelay $0x1  }
0x9f: {  	s19 =	simm.s32 $_scs_section_size  }
0xa0: {  	s5 =	simm.s32 $_size__tile_overlayer_lowered;
	s6 =	simm.s32 $_tile_overlayer_lowered  }
0xa1: {  	s22 =	simm.s32 $0x1BFF;
	s21 =	sshll.u32 s6, $0x1;
	s3 =	sadd.s32 s19, s18  }
0xa2: {  	s7 =	simm.s32 $0x0;
	s20 =	sshll.u32 s5, $0x1;
	s5 =	sadd.s32 s21, s3  }
0xa3: {  	[timem:s7], [sflag:s22] =	dma.local [hbm:s5], s20  }
0xa4: {  	_ =	swait.ge [sflag:s22], s20  }
0xa5: {  	s4 =	ssub.s32 $0x0, s20;
	[sflag:s22] =	ssyncset.done $0x0  }
0xa6: {  	[sflag:s22] =	ssyncadd.s32 s4;
	_ =	sdelay $0x1  }
0xa7: {  	s23 =	simm.s32 $0x1B8B  }
0xa8: {  	_ =	swait.ge [sflag:s23], $0x1  }
0xa9: {  	[sflag:s23] =	ssyncset.done $0x0  }
0xaa: {  	s25 =	simm.s32 $0x1B8E;
	s24 =	sld [smem:$0x3FFE];
	[sflag:s23] =	ssyncadd.s32 $0xFFFFFFFF  }
0xab: {  	s26 =	simm.s32 $execute0_lowered;
	[smem:$0x3FD2] =	sst s25  }
0xac: {  	s5 =	sshll.u32 s26, $0x1;
	_ =	strace $0x80000046;
	[dreg:$0x1] =	wrdreg $0xFFFFFFFF  }
0xad: {  	s28 =	simm.s32 $_size_execute0_lowered;
	s3 =	sadd.s32 s3, s5;
	[dreg:$0x0] =	wrdreg $0x0  }
0xae: {  	s5 =	sshll.u32 s28, $0x1;
	[dreg:$0x2] =	wrdreg s3  }
0xaf: {  	[dreg:$0x3] =	wrdreg s5  }
0xb0: {  	[dreg:$0x4] =	wrdreg $0xC0  }
0xb1: {  	_ =	task [dreg:s7], $0x5FFFF  }
0xb2: {  	[dreg:$0x1] =	wrdreg $0xFFFFFFFF  }
0xb3: {  	[dreg:$0x0] =	wrdreg $0x60  }
0xb4: {  	[dreg:$0x2] =	wrdreg s16  }
0xb5: {  	[dreg:$0x3] =	wrdreg s24  }
0xb6: {  	[dreg:$0x4] =	wrdreg $0x9  }
0xb7: {  	_ =	task.clear_ibuf [dreg:s7], $0x5FFFF;
	_ =	strace $0x90000046  }
0xb8: {  	s29 =	simm.s32 $0x9;
	_ =	strace $0x80000048  }
0xb9: {  	_ =	swait.ge [sflag:s29], $0x1  }
0xba: {  	[sflag:s29] =	ssyncadd.s32 $0xFFFFFFFF  }
0xbb: {  	_ =	strace $0x90000048  }
0xbc: {  	_ =	sfence  }
0xbd: {  	s30 =	sld [smem:$0x0];
	_ =	sdelay $0x2  }
0xbe: {  	s31 =	sshll.u32 s1, $0xD;
	s1 =	sshrl.u32 s1, $0x2  }
0xbf: {  	s3 =	sand.u32 $0x4000, s31;
	s1 =	sadd.s32 s1, s30  }
0xc0: {  	s0 =	sor.u32 s3, s0;
	s1 =	sshll.u32 s1, $0x11  }
0xc1: {  	s0 =	sor.u32 s1, s0  }
0xc2: {  	s0 =	sadd.s32 $0x8F2B, s0  }
0xc3: {  	[sflag:s0] =	ssyncadd.remote.s32 $0x1  }
0xc4: {  	_ =	sfence.sel $0xFFFF  }
0xc5: {  	[dreg:$0x0] =	wrdreg $0xFFFFFFFF;
	(pc) =	sbr.abs _section_cstart, $3  }
0xc6: {  	[dreg:$0x1] =	wrdreg $0xFFFFFFFF  }
0xc7: {  	_ =	task.clear_ibuf [dreg:s7], $0x2FFFF;
	_ =	strace $0x9FFFFFFF  }
0xc8: {  	(tm) =	ssettm $0x7FFFFFFF  }
0xc9: {  	_ =	shalt  }
tec
execute0_lowered:
.L_overlay_start_1:
0x0: {  	(tag) =	ssettag $0x1  }
0x1: {  	s1 =	srdreg.scid;
	s0 =	stileid.u32  }
0x2: {  	s20 =	sand.u32 $0x1, s1;
	s30 =	sshll.u32 s0, $0x1  }
0x3: {  	s2 =	rddreg [dreg:$0x0];
	s11 =	sor.u32 s20, s30  }
0x4: {  	s10 =	rddreg [dreg:$0x1];
	s4 =	smul.u32 $0x120, s11  }
0x5: {  	s3 =	simm.s32 $0x0;
	s1 =	rddreg [dreg:$0x2]  }
0x6: {  	[smem:$0x7FF] =	sst s3;
	s4 =	sadd.s32 s4, s10  }
0x7: {  	_ =	strace $0x80000047;
	s5 =	sadd.s32 $0xC8000, s4;
	s4 =	simm.s32 $0x3  }
0x8: {  	[tilespmem:s3], [sflag:$0x3] =	stream.linear.gather [hbm4b:s5+s3], $0x900, $0x38;
	[tilespmem:$0x18900] =	vst v63  }
0x9: {  	_ =	swait.ge [sflag:s4], $0x900  }
0xa: {  	[sflag:s4] =	ssyncset.done $0x0  }
0xb: {  	s6 =	simm.s32 $0x180;
	s7 =	simm.s32 $0x900;
	[sflag:s4] =	ssyncadd.s32 $0xFFFFF700  }
0xc: {  	[tilespmem:s7], [sflag:$0x1] =	stream.indirect.gather [hbm4b:s2+s6], $0x80, s3, s6, $0xb8;
	[tilespmem:$0x18900] =	vst v63  }
0xd: {  	s8 =	simm.s32 $0xC900;
	s9 =	simm.s32 $0x1  }
0xe: {  	[tilespmem:s8], [sflag:$0x2] =	stream.indirect.gather [hbm4b:s2+s6], $0x80, s6, s6, $0xb8;
	[tilespmem:$0x18900] =	vst v63  }
0xf: {  	s12 =	smul.u32 $0x9000, s11;
	_ =	swait.ge [sflag:s9], $0xC000  }
0x10: {  	s13 =	sadd.s32 $0xCA400, s10;
	[sflag:s9] =	ssyncset.done $0x0  }
0x11: {  	s10 =	sadd.s32 s13, s12;
	[sflag:s9] =	ssyncadd.s32 $0xFFFF4000  }
0x12: {  	[hbm4b:s10+s3] =	stream.linear.scatter [tilespmem:s7], [sflag:$0x3], $0xC000, $0x38;
	[tilespmem:$0x18900] =	vst v63  }
0x13: {  	_ =	swait.ge [sflag:s4], $0xC000  }
0x14: {  	s14 =	smul.u32 $0x48000, s11;
	[sflag:s4] =	ssyncset.done $0x0  }
0x15: {  	s11 =	simm.s32 $0x300;
	s12 =	simm.s32 $0x2;
	[sflag:s4] =	ssyncadd.s32 $0xFFFF4000  }
0x16: {  	[tilespmem:s7], [sflag:$0x1] =	stream.indirect.gather [hbm4b:s2+s6], $0x80, s11, s6, $0xb8;
	[tilespmem:$0x18900] =	vst v63  }
0x17: {  	s14 =	sshrl.u32 s14, $0x3;
	_ =	swait.ge [sflag:s12], $0xC000  }
0x18: {  	s21 =	sadd.s32 s13, s14;
	[sflag:s12] =	ssyncset.done $0x0  }
0x19: {  	s13 =	sadd.s32 $0x1800, s21;
	[sflag:s12] =	ssyncadd.s32 $0xFFFF4000  }
0x1a: {  	[hbm4b:s13+s3] =	stream.linear.scatter [tilespmem:s8], [sflag:$0x3], $0xC000, $0x38;
	[tilespmem:$0x18900] =	vst v63  }
0x1b: {  	_ =	swait.ge [sflag:s4], $0xC000  }
0x1c: {  	[sflag:s4] =	ssyncset.done $0x0  }
0x1d: {  	s14 =	simm.s32 $0x480;
	[sflag:s4] =	ssyncadd.s32 $0xFFFF4000  }
0x1e: {  	[tilespmem:s8], [sflag:$0x2] =	stream.indirect.gather [hbm4b:s2+s6], $0x80, s14, s6, $0xb8;
	[tilespmem:$0x18900] =	vst v63  }
0x1f: {  	_ =	swait.ge [sflag:s9], $0xC000  }
0x20: {  	[sflag:s9] =	ssyncset.done $0x0  }
0x21: {  	s15 =	sadd.s32 $0x3000, s21;
	[sflag:s9] =	ssyncadd.s32 $0xFFFF4000  }
0x22: {  	[hbm4b:s15+s3] =	stream.linear.scatter [tilespmem:s7], [sflag:$0x3], $0xC000, $0x38;
	[tilespmem:$0x18900] =	vst v63  }
0x23: {  	_ =	swait.ge [sflag:s4], $0xC000  }
0x24: {  	[sflag:s4] =	ssyncset.done $0x0  }
0x25: {  	s16 =	simm.s32 $0x600;
	[sflag:s4] =	ssyncadd.s32 $0xFFFF4000  }
0x26: {  	[tilespmem:s7], [sflag:$0x1] =	stream.indirect.gather [hbm4b:s2+s6], $0x80, s16, s6, $0xb8;
	[tilespmem:$0x18900] =	vst v63  }
0x27: {  	_ =	swait.ge [sflag:s12], $0xC000  }
0x28: {  	[sflag:s12] =	ssyncset.done $0x0  }
0x29: {  	s17 =	sadd.s32 $0x4800, s21;
	[sflag:s12] =	ssyncadd.s32 $0xFFFF4000  }
0x2a: {  	[hbm4b:s17+s3] =	stream.linear.scatter [tilespmem:s8], [sflag:$0x3], $0xC000, $0x38;
	[tilespmem:$0x18900] =	vst v63  }
0x2b: {  	_ =	swait.ge [sflag:s4], $0xC000  }
0x2c: {  	[sflag:s4] =	ssyncset.done $0x0  }
0x2d: {  	s18 =	simm.s32 $0x780;
	[sflag:s4] =	ssyncadd.s32 $0xFFFF4000  }
0x2e: {  	[tilespmem:s8], [sflag:$0x2] =	stream.indirect.gather [hbm4b:s2+s6], $0x80, s18, s6, $0xb8;
	[tilespmem:$0x18900] =	vst v63  }
0x2f: {  	_ =	swait.ge [sflag:s9], $0xC000  }
0x30: {  	[sflag:s9] =	ssyncset.done $0x0  }
0x31: {  	s20 =	ssub.s32 $0x2, s20;
	s19 =	sadd.s32 $0x6000, s21;
	[sflag:s9] =	ssyncadd.s32 $0xFFFF4000  }
0x32: {  	[hbm4b:s19+s3] =	stream.linear.scatter [tilespmem:s7], [sflag:$0x3], $0xC000, $0x38;
	[tilespmem:$0x18900] =	vst v63  }
0x33: {  	s22 =	sshrl.u32 s20, $0x1;
	_ =	swait.ge [sflag:s4], $0xC000  }
0x34: {  	s22 =	ssub.s32 s20, s22;
	[sflag:s4] =	ssyncset.done $0x0  }
0x35: {  	s31 =	smax.u32 s22, $0x1;
	[sflag:s4] =	ssyncadd.s32 $0xFFFF4000  }
0x36: {  	p0 =	sne.s32 s31, $0x1;
	_ =	swait.ge [sflag:s12], $0xC000  }
.Ltmp0:
0x37: {  	[sflag:s12] =	ssyncset.done $0x0;
	(pc) =	sbr.rel @!p0 .LBB2_2-.Ltmp0, $4  }
0x38: {  	s20 =	sadd.s32 $0x7800, s21;
	[sflag:s12] =	ssyncadd.s32 $0xFFFF4000  }
0x39: {  	[hbm4b:s20+s3] =	stream.linear.scatter [tilespmem:s8], [sflag:$0x3], $0xC000, $0x38;
	[tilespmem:$0x18900] =	vst v63  }
0x3a: {  	_ =	swait.ge [sflag:s4], $0xC000  }
0x3b: {  	s21 =	sadd.s32 $0xFFFFFFFF, s31;
	[sflag:s4] =	ssyncset.done $0x0  }
.LBB2_1:
0x3c: {  	p0 =	sne.s32 s21, $0x1;
	s21 =	sadd.s32 $0xFFFFFFFF, s21;
	[sflag:s4] =	ssyncadd.s32 $0xFFFF4000  }
0x3d: {  	[tilespmem:s3], [sflag:$0x3] =	stream.linear.gather [hbm4b:s5+s3], $0x900, $0x38;
	[tilespmem:$0x18900] =	vst v63  }
0x3e: {  	_ =	swait.ge [sflag:s4], $0x900  }
0x3f: {  	[sflag:s4] =	ssyncset.done $0x0  }
0x40: {  	[sflag:s4] =	ssyncadd.s32 $0xFFFFF700  }
0x41: {  	[tilespmem:s7], [sflag:$0x1] =	stream.indirect.gather [hbm4b:s2+s6], $0x80, s3, s6, $0xb8;
	[tilespmem:$0x18900] =	vst v63  }
0x42: {  	_ = 	snop  }
0x43: {  	[tilespmem:s8], [sflag:$0x2] =	stream.indirect.gather [hbm4b:s2+s6], $0x80, s6, s6, $0xb8;
	[tilespmem:$0x18900] =	vst v63  }
0x44: {  	_ =	swait.ge [sflag:s9], $0xC000  }
0x45: {  	[sflag:s9] =	ssyncset.done $0x0  }
0x46: {  	[sflag:s9] =	ssyncadd.s32 $0xFFFF4000  }
0x47: {  	[hbm4b:s10+s3] =	stream.linear.scatter [tilespmem:s7], [sflag:$0x3], $0xC000, $0x38;
	[tilespmem:$0x18900] =	vst v63  }
0x48: {  	_ =	swait.ge [sflag:s4], $0xC000  }
0x49: {  	[sflag:s4] =	ssyncset.done $0x0  }
0x4a: {  	[sflag:s4] =	ssyncadd.s32 $0xFFFF4000  }
0x4b: {  	[tilespmem:s7], [sflag:$0x1] =	stream.indirect.gather [hbm4b:s2+s6], $0x80, s11, s6, $0xb8;
	[tilespmem:$0x18900] =	vst v63  }
0x4c: {  	_ =	swait.ge [sflag:s12], $0xC000  }
0x4d: {  	[sflag:s12] =	ssyncset.done $0x0  }
0x4e: {  	[sflag:s12] =	ssyncadd.s32 $0xFFFF4000  }
0x4f: {  	[hbm4b:s13+s3] =	stream.linear.scatter [tilespmem:s8], [sflag:$0x3], $0xC000, $0x38;
	[tilespmem:$0x18900] =	vst v63  }
0x50: {  	_ =	swait.ge [sflag:s4], $0xC000  }
0x51: {  	[sflag:s4] =	ssyncset.done $0x0  }
0x52: {  	[sflag:s4] =	ssyncadd.s32 $0xFFFF4000  }
0x53: {  	[tilespmem:s8], [sflag:$0x2] =	stream.indirect.gather [hbm4b:s2+s6], $0x80, s14, s6, $0xb8;
	[tilespmem:$0x18900] =	vst v63  }
0x54: {  	_ =	swait.ge [sflag:s9], $0xC000  }
0x55: {  	[sflag:s9] =	ssyncset.done $0x0  }
0x56: {  	[sflag:s9] =	ssyncadd.s32 $0xFFFF4000  }
0x57: {  	[hbm4b:s15+s3] =	stream.linear.scatter [tilespmem:s7], [sflag:$0x3], $0xC000, $0x38;
	[tilespmem:$0x18900] =	vst v63  }
0x58: {  	_ =	swait.ge [sflag:s4], $0xC000  }
0x59: {  	[sflag:s4] =	ssyncset.done $0x0  }
0x5a: {  	[sflag:s4] =	ssyncadd.s32 $0xFFFF4000  }
0x5b: {  	[tilespmem:s7], [sflag:$0x1] =	stream.indirect.gather [hbm4b:s2+s6], $0x80, s16, s6, $0xb8;
	[tilespmem:$0x18900] =	vst v63  }
0x5c: {  	_ =	swait.ge [sflag:s12], $0xC000  }
0x5d: {  	[sflag:s12] =	ssyncset.done $0x0  }
0x5e: {  	[sflag:s12] =	ssyncadd.s32 $0xFFFF4000  }
0x5f: {  	[hbm4b:s17+s3] =	stream.linear.scatter [tilespmem:s8], [sflag:$0x3], $0xC000, $0x38;
	[tilespmem:$0x18900] =	vst v63  }
0x60: {  	_ =	swait.ge [sflag:s4], $0xC000  }
0x61: {  	[sflag:s4] =	ssyncset.done $0x0  }
0x62: {  	[sflag:s4] =	ssyncadd.s32 $0xFFFF4000  }
0x63: {  	[tilespmem:s8], [sflag:$0x2] =	stream.indirect.gather [hbm4b:s2+s6], $0x80, s18, s6, $0xb8;
	[tilespmem:$0x18900] =	vst v63  }
0x64: {  	_ =	swait.ge [sflag:s9], $0xC000  }
0x65: {  	[sflag:s9] =	ssyncset.done $0x0  }
0x66: {  	[sflag:s9] =	ssyncadd.s32 $0xFFFF4000  }
0x67: {  	[hbm4b:s19+s3] =	stream.linear.scatter [tilespmem:s7], [sflag:$0x3], $0xC000, $0x38;
	[tilespmem:$0x18900] =	vst v63  }
0x68: {  	_ =	swait.ge [sflag:s4], $0xC000  }
0x69: {  	[sflag:s4] =	ssyncset.done $0x0  }
0x6a: {  	[sflag:s4] =	ssyncadd.s32 $0xFFFF4000  }
0x6b: {  	_ =	swait.ge [sflag:s12], $0xC000  }
.Ltmp1:
0x6c: {  	[sflag:s12] =	ssyncset.done $0x0;
	(pc) =	sbr.rel @p0 .LBB2_1-.Ltmp1, $4  }
0x6d: {  	[sflag:s12] =	ssyncadd.s32 $0xFFFF4000  }
0x6e: {  	[hbm4b:s20+s3] =	stream.linear.scatter [tilespmem:s8], [sflag:$0x3], $0xC000, $0x38;
	[tilespmem:$0x18900] =	vst v63  }
0x6f: {  	_ =	swait.ge [sflag:s4], $0xC000  }
0x70: {  	[sflag:s4] =	ssyncset.done $0x0  }
.LBB2_2:
0x71: {  	[sflag:s4] =	ssyncadd.s32 $0xFFFF4000  }
0x72: {  	_ =	sfence.sel $0x180000  }
0x73: {  	[bflag:$0x0] =	sbarrier.arrive $0xFFFF  }
0x74: {  	p0 =	sne.s32 s0, $0x0;
	_ =	strace $0x90000047  }
0x75: {  	s0 =	sadd.s32 @!p0 $0x100000, s1;
	[bflag:$0x2] =	sbarrier.arrive $0xFFFF  }
0x76: {  	[sflag:s0] =	ssyncadd.tile.s32 @!p0 $0x1;
	_ =	shalt  }
.Lfunc_end2:
_tile_overlayer_lowered:
.L_overlay_start_2:
0x77: {  	(tag) =	ssettag $0x2  }
0x78: {  	s0 =	rddreg [dreg:$0x0];
	s2 =	stileid.u32  }
0x79: {  	s1 =	rddreg [dreg:$0x1];
	p0 =	sne.s32 s2, $0x0  }
0x7a: {  	s3 =	rddreg [dreg:$0x2];
	[bflag:$0x3] =	sbarrier.arrive $0xFFFF;
	s2 =	simm.s32 @!p0 $0x1C03  }
0x7b: {  	[timem:s3], [sflag:s2] =	dma.local @!p0 [hbm:s0], s1  }
0x7c: {  	s0 =	simm.s32 @!p0 $0x3  }
0x7d: {  	_ =	swait.ge @!p0 [sflag:s0], s1  }
0x7e: {  	s1 =	ssub.s32 @!p0 $0x0, s1;
	[sflag:s0] =	ssyncset.done @!p0 $0x0  }
0x7f: {  	[sflag:s0] =	ssyncadd.s32 @!p0 s1  }
0x80: {  	[bflag:$0x3] =	sbarrier.arrive $0xFFFF  }
0x81: {  	_ =	shalt  }

</sc_bundles>
